<compile_context>
chip_gen: v7x
topology: tpu7x:2x2x1
jax: 0.10.2.dev20260603
libtpu: 0.0.44.dev20260713+nightly
codegen_flags: <defaults>
</compile_context>

<pallas_src>
import functools

import jax
import jax.numpy as jnp
from jax import lax
from jax.experimental import pallas as pl
from jax.experimental.pallas import tpu as pltpu
from jax.experimental.pallas import tpu_sc as plsc



def _matvec_body(grid, half, emb_t_ref, w_ref, b_ref, p_ref, acc_ref):
    i = pl.program_id(0)
    partial = jnp.sum(emb_t_ref[...] * w_ref[...], axis=0, keepdims=True)

    @pl.when(i == 0)
    def _():
        acc_ref[...] = partial + b_ref[...]

    @pl.when(i != 0)
    def _():
        acc_ref[...] += partial

    @pl.when(i == grid - 1)
    def _():
        acc = acc_ref[...]
        v = acc.shape[1]
        lo_f = jnp.concatenate(
            [acc[:, half:], jnp.zeros((1, 2 * half - v), jnp.float32)], axis=1)
        hi = lax.bitcast_convert_type(acc[:, :half], jnp.int32) + 0x8000
        lo = lax.bitcast_convert_type(lo_f, jnp.int32) + 0x8000
        p_ref[...] = (hi & jnp.int32(-65536)) | (
            lax.shift_right_logical(lo, 16))


def _matvec(emb_t, w_col, bias):
    d, v = emb_t.shape
    grid = d // 8
    half = ((v // 2) + 127) & ~127
    p2 = pl.pallas_call(
        functools.partial(_matvec_body, grid, half),
        grid=(grid,),
        in_specs=[
            pl.BlockSpec((8, v), lambda i: (i, 0)),
            pl.BlockSpec((8, 1), lambda i: (i, 0)),
            pl.BlockSpec((1, 1), lambda i: (0, 0)),
        ],
        out_specs=pl.BlockSpec((1, half), lambda i: (0, 0)),
        out_shape=jax.ShapeDtypeStruct((1, half), jnp.int32),
        scratch_shapes=[pltpu.VMEM((1, v), jnp.float32)],
    )(emb_t, w_col, bias)
    return p2



_LANES = 16


def _gather_sum_body(s_len, rows_per_tile, nc, half, p_hbm, ids_hbm, out_hbm,
                     p_v, ids_v, acc_v, sem_p, sem_i):
    sid = lax.axis_index("s")
    wid = sid * nc + lax.axis_index("c")
    base_row = wid * rows_per_tile
    groups = rows_per_tile // _LANES

    nw = nc * 16
    off = (wid + 1) * ((half // (nw + 1)) & ~127)
    cp_p1 = pltpu.make_async_copy(
        p_hbm.at[0, pl.ds(off, half - off)], p_v.at[pl.ds(off, half - off)],
        sem_p)
    cp_p2 = pltpu.make_async_copy(
        p_hbm.at[0, pl.ds(0, off)], p_v.at[pl.ds(0, off)], sem_p)
    cp_i = pltpu.make_async_copy(
        ids_hbm.at[:, pl.ds(base_row, rows_per_tile)], ids_v, sem_i)
    cp_p1.start()
    cp_i.start()
    cp_p2.start()
    cp_p1.wait()
    cp_p2.wait()
    cp_i.wait()

    lane = lax.iota(jnp.int32, _LANES)
    col = [lane + g * _LANES for g in range(groups)]
    himask = jnp.full((_LANES,), jnp.int32(-65536))

    def body(s, accs):
        row = jnp.full((_LANES,), s, jnp.int32)
        new = []
        for g in range(groups):
            idx = plsc.load_gather(ids_v, [row, col[g]])
            in_hi = idx < half
            word = plsc.load_gather(
                p_v, [jnp.where(in_hi, idx, idx - half)])
            w32 = jnp.where(in_hi, word & himask,
                            lax.shift_left(word, 16))
            new.append(accs[g] + plsc.bitcast(w32, jnp.float32))
        return tuple(new)

    zero = jnp.zeros((_LANES,), jnp.float32)
    accs = lax.fori_loop(0, s_len, body, (zero,) * groups, unroll=2)
    for g in range(groups):
        acc_v[pl.ds(g * _LANES, _LANES)] = accs[g]
    pltpu.sync_copy(acc_v, out_hbm.at[pl.ds(base_row, rows_per_tile)])


def _gather_sum(p, ids_t):
    s_len, b = ids_t.shape
    half = p.shape[1]
    info = plsc.get_sparse_core_info()
    nc, ns = info.num_cores, info.num_subcores
    nw = nc * ns
    rows_per_tile = b // nw
    mesh = plsc.VectorSubcoreMesh(core_axis_name="c", subcore_axis_name="s")
    k = pl.kernel(
        functools.partial(_gather_sum_body, s_len, rows_per_tile, nc, half),
        out_type=jax.ShapeDtypeStruct((b,), jnp.float32),
        mesh=mesh,
        scratch_types=[
            pltpu.VMEM((half,), jnp.int32),
            pltpu.VMEM((s_len, rows_per_tile), jnp.int32),
            pltpu.VMEM((rows_per_tile,), jnp.float32),
            pltpu.SemaphoreType.DMA,
            pltpu.SemaphoreType.DMA,
        ],
        compiler_params=pltpu.CompilerParams(needs_layout_passes=False),
    )
    return k(p, ids_t)



def kernel(input_ids, embedding, W, b):
    b_sz, s_len = input_ids.shape
    inv_s = 1.0 / s_len
    w_col = (W * inv_s).reshape(-1, 1).astype(jnp.float32)
    bias = (b * inv_s).reshape(1, 1).astype(jnp.float32)
    p2 = _matvec(embedding.T, w_col, bias)
    ids_t = jnp.ravel(input_ids.T).reshape(s_len, b_sz).astype(jnp.int32)
    return _gather_sum(p2, ids_t)

# --- scband reference (transcript-rebuilt; emitter-appended) ---
"""Pipeline reference for scband-dummy-reward-model-49151605735832 (READ-ONLY COPY).

The authoritative reference and input builder live on the scoring server;
editing this copy changes nothing except your own understanding.
"""

import jax, jax.numpy as jnp
import numpy as np

VOCAB = 100000
D_MODEL = 64
BATCH = 4096
SEQ = 200

def setup_inputs(seed: int = 0) -> dict:
    key = jax.random.key(seed)
    k1, k2, k3, k4 = jax.random.split(key, 4)
    input_ids = jax.random.randint(k1, (BATCH, SEQ), 0, VOCAB, dtype=jnp.int64 if jax.config.jax_enable_x64 else jnp.int32)
    embedding = jax.random.normal(k2, (VOCAB, D_MODEL), dtype=jnp.float32) * 0.02
    W = jax.random.normal(k3, (1, D_MODEL), dtype=jnp.float32) * 0.02
    b = jnp.zeros((1,), dtype=jnp.float32)
    return {"input_ids": input_ids, "embedding": embedding, "W": W, "b": b}

def reference(input_ids, embedding, W, b):
    # Embedding lookup: gather rows from the table
    h = jnp.take(embedding, input_ids, axis=0)  # (B, S, D)
    # Mean pooling over the sequence dimension
    h = h.mean(axis=1)  # (B, D)
    # Linear reward head: (B, D) @ (D, 1) + b -> (B, 1) -> (B,)
    reward = (h @ W.T + b).squeeze(-1)
    return reward

if __name__ == "__main__":
    import jax
    _d = setup_inputs()
    print(jax.jit(kernel)(*tuple(_d.values())))

</pallas_src>

<mosaic_0001>
#map = affine_map<(d0, d1) -> (0, 0)>
#map1 = affine_map<(d0, d1) -> (0)>
module attributes {stable_mosaic.version = 14 : i64} {
  func.func @_gather_sum_body(%arg0: i32, %arg1: i32, %arg2: memref<1x50048xi32, #tpu.memory_space<hbm>>, %arg3: memref<200x4096xi32, #tpu.memory_space<hbm>>, %arg4: memref<4096xf32, #tpu.memory_space<hbm>>, %arg5: memref<50048xi32, #tpu.memory_space<vmem>>, %arg6: memref<200x128xi32, #tpu.memory_space<vmem>>, %arg7: memref<128xf32, #tpu.memory_space<vmem>>, %arg8: memref<!tpu.dma_semaphore, #tpu.memory_space<semaphore_mem>>, %arg9: memref<!tpu.dma_semaphore, #tpu.memory_space<semaphore_mem>>) attributes {dimension_semantics = [#tpu.dimension_semantics<core_parallel>, #tpu.dimension_semantics<subcore_parallel>], iteration_bounds = array<i64: 2, 16>, scalar_prefetch = 0 : i64, scratch_operands = 5 : i64, tpu.core_type = #tpu.core_type<sc_vector_subcore>, window_params = [{transform_indices = #map}, {transform_indices = #map}, {transform_indices = #map1}]} {
    %mul3A = arith.constant 2 : i32
    %mul3A_0 = arith.muli %arg1, %mul3A : i32
    %add3A = arith.addi %mul3A_0, %arg0 : i32
    %mul3A_1 = arith.constant 128 : i32
    %mul3A_2 = arith.muli %add3A, %mul3A_1 : i32
    %add3A_3 = arith.constant 1 : i32
    %add3A_4 = arith.addi %add3A, %add3A_3 : i32
    %mul3A_5 = arith.constant 1408 : i32
    %mul3A_6 = arith.muli %add3A_4, %mul3A_5 : i32
    %sub3A = arith.constant 50048 : i32
    %sub3A_7 = arith.subi %sub3A, %mul3A_6 : i32
    %sub3A_8 = arith.constant 50048 : i32
    %sub3A_9 = arith.subi %sub3A_8, %mul3A_6 : i32
    %dma_start3A = arith.constant 0 : i32
    %dma_start3A_10 = tpu.memref_slice %arg5[%mul3A_6] <%sub3A_9> : memref<50048xi32, #tpu.memory_space<vmem>> -> memref<?xi32, #tpu.memory_space<vmem>>
    %dma_start3A_11 = tpu.memref_slice %arg2[%dma_start3A, %mul3A_6] <%sub3A_7> : memref<1x50048xi32, #tpu.memory_space<hbm>> -> memref<1x?xi32, #tpu.memory_space<hbm>>
    %dma_start3A_12 = tpu.memref_squeeze %dma_start3A_11 : memref<1x?xi32, #tpu.memory_space<hbm>> -> memref<?xi32, #tpu.memory_space<hbm>>
    %dma_start3A_13 = tpu.memref_slice %arg5[%mul3A_6] <%sub3A_9> : memref<50048xi32, #tpu.memory_space<vmem>> -> memref<?xi32, #tpu.memory_space<vmem>>
    %dma_start3A_14 = tpu.memref_slice %arg2[%dma_start3A, %mul3A_6] <%sub3A_7> : memref<1x50048xi32, #tpu.memory_space<hbm>> -> memref<1x?xi32, #tpu.memory_space<hbm>>
    %dma_start3A_15 = tpu.memref_squeeze %dma_start3A_14 : memref<1x?xi32, #tpu.memory_space<hbm>> -> memref<?xi32, #tpu.memory_space<hbm>>
    tpu.enqueue_dma source(%dma_start3A_15 : memref<?xi32, #tpu.memory_space<hbm>>) target(%dma_start3A_13 : memref<?xi32, #tpu.memory_space<vmem>>) target_semaphore(%arg8 : memref<!tpu.dma_semaphore, #tpu.memory_space<semaphore_mem>>)
    %dma_start3A_16 = arith.constant 0 : i32
    %dma_start3A_17 = tpu.memref_slice %arg3[%dma_start3A_16, %mul3A_2] : memref<200x4096xi32, #tpu.memory_space<hbm>> -> memref<200x128xi32, #tpu.memory_space<hbm>>
    %dma_start3A_18 = arith.constant 0 : i32
    %dma_start3A_19 = tpu.memref_slice %arg3[%dma_start3A_18, %mul3A_2] : memref<200x4096xi32, #tpu.memory_space<hbm>> -> memref<200x128xi32, #tpu.memory_space<hbm>>
    tpu.enqueue_dma source(%dma_start3A_19 : memref<200x128xi32, #tpu.memory_space<hbm>>) target(%arg6 : memref<200x128xi32, #tpu.memory_space<vmem>>) target_semaphore(%arg9 : memref<!tpu.dma_semaphore, #tpu.memory_space<semaphore_mem>>)
    %dma_start3A_20 = arith.constant 0 : i32
    %dma_start3A_21 = arith.constant 0 : i32
    %dma_start3A_22 = tpu.memref_slice %arg5[%dma_start3A_21] <%mul3A_6> : memref<50048xi32, #tpu.memory_space<vmem>> -> memref<?xi32, #tpu.memory_space<vmem>>
    %dma_start3A_23 = arith.constant 0 : i32
    %dma_start3A_24 = tpu.memref_slice %arg2[%dma_start3A_20, %dma_start3A_23] <%mul3A_6> : memref<1x50048xi32, #tpu.memory_space<hbm>> -> memref<1x?xi32, #tpu.memory_space<hbm>>
    %dma_start3A_25 = tpu.memref_squeeze %dma_start3A_24 : memref<1x?xi32, #tpu.memory_space<hbm>> -> memref<?xi32, #tpu.memory_space<hbm>>
    %dma_start3A_26 = arith.constant 0 : i32
    %dma_start3A_27 = tpu.memref_slice %arg5[%dma_start3A_26] <%mul3A_6> : memref<50048xi32, #tpu.memory_space<vmem>> -> memref<?xi32, #tpu.memory_space<vmem>>
    %dma_start3A_28 = arith.constant 0 : i32
    %dma_start3A_29 = tpu.memref_slice %arg2[%dma_start3A_20, %dma_start3A_28] <%mul3A_6> : memref<1x50048xi32, #tpu.memory_space<hbm>> -> memref<1x?xi32, #tpu.memory_space<hbm>>
    %dma_start3A_30 = tpu.memref_squeeze %dma_start3A_29 : memref<1x?xi32, #tpu.memory_space<hbm>> -> memref<?xi32, #tpu.memory_space<hbm>>
    tpu.enqueue_dma source(%dma_start3A_30 : memref<?xi32, #tpu.memory_space<hbm>>) target(%dma_start3A_27 : memref<?xi32, #tpu.memory_space<vmem>>) target_semaphore(%arg8 : memref<!tpu.dma_semaphore, #tpu.memory_space<semaphore_mem>>)
    %dma_wait3A = arith.constant 0 : i32
    %dma_wait3A_31 = tpu.memref_slice %arg5[%mul3A_6] <%sub3A_9> : memref<50048xi32, #tpu.memory_space<vmem>> -> memref<?xi32, #tpu.memory_space<vmem>>
    %dma_wait3A_32 = tpu.memref_slice %arg2[%dma_wait3A, %mul3A_6] <%sub3A_7> : memref<1x50048xi32, #tpu.memory_space<hbm>> -> memref<1x?xi32, #tpu.memory_space<hbm>>
    %dma_wait3A_33 = tpu.memref_squeeze %dma_wait3A_32 : memref<1x?xi32, #tpu.memory_space<hbm>> -> memref<?xi32, #tpu.memory_space<hbm>>
    %dma_wait3A_34 = tpu.memref_slice %arg5[%mul3A_6] <%sub3A_9> : memref<50048xi32, #tpu.memory_space<vmem>> -> memref<?xi32, #tpu.memory_space<vmem>>
    %dma_wait3A_35 = tpu.memref_slice %arg2[%dma_wait3A, %mul3A_6] <%sub3A_7> : memref<1x50048xi32, #tpu.memory_space<hbm>> -> memref<1x?xi32, #tpu.memory_space<hbm>>
    %dma_wait3A_36 = tpu.memref_squeeze %dma_wait3A_35 : memref<1x?xi32, #tpu.memory_space<hbm>> -> memref<?xi32, #tpu.memory_space<hbm>>
    tpu.wait_dma2 semaphore(%arg8 : memref<!tpu.dma_semaphore, #tpu.memory_space<semaphore_mem>>) src(%dma_wait3A_36 : memref<?xi32, #tpu.memory_space<hbm>>) dst(%dma_wait3A_34 : memref<?xi32, #tpu.memory_space<vmem>>)
    %dma_wait3A_37 = arith.constant 0 : i32
    %dma_wait3A_38 = arith.constant 0 : i32
    %dma_wait3A_39 = tpu.memref_slice %arg5[%dma_wait3A_38] <%mul3A_6> : memref<50048xi32, #tpu.memory_space<vmem>> -> memref<?xi32, #tpu.memory_space<vmem>>
    %dma_wait3A_40 = arith.constant 0 : i32
    %dma_wait3A_41 = tpu.memref_slice %arg2[%dma_wait3A_37, %dma_wait3A_40] <%mul3A_6> : memref<1x50048xi32, #tpu.memory_space<hbm>> -> memref<1x?xi32, #tpu.memory_space<hbm>>
    %dma_wait3A_42 = tpu.memref_squeeze %dma_wait3A_41 : memref<1x?xi32, #tpu.memory_space<hbm>> -> memref<?xi32, #tpu.memory_space<hbm>>
    %dma_wait3A_43 = arith.constant 0 : i32
    %dma_wait3A_44 = tpu.memref_slice %arg5[%dma_wait3A_43] <%mul3A_6> : memref<50048xi32, #tpu.memory_space<vmem>> -> memref<?xi32, #tpu.memory_space<vmem>>
    %dma_wait3A_45 = arith.constant 0 : i32
    %dma_wait3A_46 = tpu.memref_slice %arg2[%dma_wait3A_37, %dma_wait3A_45] <%mul3A_6> : memref<1x50048xi32, #tpu.memory_space<hbm>> -> memref<1x?xi32, #tpu.memory_space<hbm>>
    %dma_wait3A_47 = tpu.memref_squeeze %dma_wait3A_46 : memref<1x?xi32, #tpu.memory_space<hbm>> -> memref<?xi32, #tpu.memory_space<hbm>>
    tpu.wait_dma2 semaphore(%arg8 : memref<!tpu.dma_semaphore, #tpu.memory_space<semaphore_mem>>) src(%dma_wait3A_47 : memref<?xi32, #tpu.memory_space<hbm>>) dst(%dma_wait3A_44 : memref<?xi32, #tpu.memory_space<vmem>>)
    %dma_wait3A_48 = arith.constant 0 : i32
    %dma_wait3A_49 = tpu.memref_slice %arg3[%dma_wait3A_48, %mul3A_2] : memref<200x4096xi32, #tpu.memory_space<hbm>> -> memref<200x128xi32, #tpu.memory_space<hbm>>
    %dma_wait3A_50 = arith.constant 0 : i32
    %dma_wait3A_51 = tpu.memref_slice %arg3[%dma_wait3A_50, %mul3A_2] : memref<200x4096xi32, #tpu.memory_space<hbm>> -> memref<200x128xi32, #tpu.memory_space<hbm>>
    tpu.wait_dma2 semaphore(%arg9 : memref<!tpu.dma_semaphore, #tpu.memory_space<semaphore_mem>>) src(%dma_wait3A_51 : memref<200x128xi32, #tpu.memory_space<hbm>>) dst(%arg6 : memref<200x128xi32, #tpu.memory_space<vmem>>)
    %iota3A = tpu.iota {dimensions = array<i32: 0>} : vector<16xi32>
    %add3A_52 = arith.constant 0 : i32
    %add3A_53 = vector.broadcast %add3A_52 : i32 to vector<16xi32>
    %add3A_54 = arith.addi %iota3A, %add3A_53 : vector<16xi32>
    %add3A_55 = arith.constant 16 : i32
    %add3A_56 = vector.broadcast %add3A_55 : i32 to vector<16xi32>
    %add3A_57 = arith.addi %iota3A, %add3A_56 : vector<16xi32>
    %add3A_58 = arith.constant 32 : i32
    %add3A_59 = vector.broadcast %add3A_58 : i32 to vector<16xi32>
    %add3A_60 = arith.addi %iota3A, %add3A_59 : vector<16xi32>
    %add3A_61 = arith.constant 48 : i32
    %add3A_62 = vector.broadcast %add3A_61 : i32 to vector<16xi32>
    %add3A_63 = arith.addi %iota3A, %add3A_62 : vector<16xi32>
    %add3A_64 = arith.constant 64 : i32
    %add3A_65 = vector.broadcast %add3A_64 : i32 to vector<16xi32>
    %add3A_66 = arith.addi %iota3A, %add3A_65 : vector<16xi32>
    %add3A_67 = arith.constant 80 : i32
    %add3A_68 = vector.broadcast %add3A_67 : i32 to vector<16xi32>
    %add3A_69 = arith.addi %iota3A, %add3A_68 : vector<16xi32>
    %add3A_70 = arith.constant 96 : i32
    %add3A_71 = vector.broadcast %add3A_70 : i32 to vector<16xi32>
    %add3A_72 = arith.addi %iota3A, %add3A_71 : vector<16xi32>
    %add3A_73 = arith.constant 112 : i32
    %add3A_74 = vector.broadcast %add3A_73 : i32 to vector<16xi32>
    %add3A_75 = arith.addi %iota3A, %add3A_74 : vector<16xi32>
    %broadcast_in_dim3A = arith.constant -65536 : i32
    %broadcast_in_dim3A_76 = vector.broadcast %broadcast_in_dim3A : i32 to vector<16xi32>
    %broadcast_in_dim3A_77 = arith.constant 0.000000e+00 : f32
    %broadcast_in_dim3A_78 = vector.broadcast %broadcast_in_dim3A_77 : f32 to vector<16xf32>
    %scan3A = arith.constant 0 : i32
    %scan3A_79 = arith.constant 200 : i32
    %scan3A_80 = arith.addi %scan3A, %scan3A_79 : i32
    %scan3A_81 = arith.constant 2 : i32
    %scan3A_82:8 = scf.for %scan3A_99 = %scan3A to %scan3A_80 step %scan3A_81 iter_args(%scan3A_100 = %broadcast_in_dim3A_78, %scan3A_101 = %broadcast_in_dim3A_78, %scan3A_102 = %broadcast_in_dim3A_78, %scan3A_103 = %broadcast_in_dim3A_78, %scan3A_104 = %broadcast_in_dim3A_78, %scan3A_105 = %broadcast_in_dim3A_78, %scan3A_106 = %broadcast_in_dim3A_78, %scan3A_107 = %broadcast_in_dim3A_78) -> (vector<16xf32>, vector<16xf32>, vector<16xf32>, vector<16xf32>, vector<16xf32>, vector<16xf32>, vector<16xf32>, vector<16xf32>)  : i32 {
      %broadcast_in_dim3A_108 = vector.broadcast %scan3A_99 : i32 to vector<16xi32>
      %gather3A = tpu.vector_load_idx %arg6[%broadcast_in_dim3A_108, %add3A_54] : memref<200x128xi32, #tpu.memory_space<vmem>>[vector<16xi32>, vector<16xi32>], vector<16xi32>,
      %lt3A = arith.constant 50048 : i32
      %lt3A_109 = vector.broadcast %lt3A : i32 to vector<16xi32>
      %lt3A_110 = arith.cmpi slt, %gather3A, %lt3A_109 : vector<16xi32>
      %sub3A_111 = arith.constant 50048 : i32
      %sub3A_112 = vector.broadcast %sub3A_111 : i32 to vector<16xi32>
      %sub3A_113 = arith.subi %gather3A, %sub3A_112 : vector<16xi32>
      %select_n3A = arith.select %lt3A_110, %gather3A, %sub3A_113 : vector<16xi1>, vector<16xi32>
      %gather3A_114 = tpu.vector_load_idx %arg5[%select_n3A] : memref<50048xi32, #tpu.memory_space<vmem>>[vector<16xi32>], vector<16xi32>,
      %and3A = arith.andi %gather3A_114, %broadcast_in_dim3A_76 : vector<16xi32>
      %shift_left3A = arith.constant 16 : i32
      %shift_left3A_115 = vector.broadcast %shift_left3A : i32 to vector<16xi32>
      %shift_left3A_116 = arith.shli %gather3A_114, %shift_left3A_115 : vector<16xi32>
      %select_n3A_117 = arith.select %lt3A_110, %and3A, %shift_left3A_116 : vector<16xi1>, vector<16xi32>
      %bitcast3A = vector.bitcast %select_n3A_117 : vector<16xi32> to vector<16xf32>
      %add3A_118 = arith.addf %scan3A_100, %bitcast3A : vector<16xf32>
      %gather3A_119 = tpu.vector_load_idx %arg6[%broadcast_in_dim3A_108, %add3A_57] : memref<200x128xi32, #tpu.memory_space<vmem>>[vector<16xi32>, vector<16xi32>], vector<16xi32>,
      %lt3A_120 = arith.constant 50048 : i32
      %lt3A_121 = vector.broadcast %lt3A_120 : i32 to vector<16xi32>
      %lt3A_122 = arith.cmpi slt, %gather3A_119, %lt3A_121 : vector<16xi32>
      %sub3A_123 = arith.constant 50048 : i32
      %sub3A_124 = vector.broadcast %sub3A_123 : i32 to vector<16xi32>
      %sub3A_125 = arith.subi %gather3A_119, %sub3A_124 : vector<16xi32>
      %select_n3A_126 = arith.select %lt3A_122, %gather3A_119, %sub3A_125 : vector<16xi1>, vector<16xi32>
      %gather3A_127 = tpu.vector_load_idx %arg5[%select_n3A_126] : memref<50048xi32, #tpu.memory_space<vmem>>[vector<16xi32>], vector<16xi32>,
      %and3A_128 = arith.andi %gather3A_127, %broadcast_in_dim3A_76 : vector<16xi32>
      %shift_left3A_129 = arith.constant 16 : i32
      %shift_left3A_130 = vector.broadcast %shift_left3A_129 : i32 to vector<16xi32>
      %shift_left3A_131 = arith.shli %gather3A_127, %shift_left3A_130 : vector<16xi32>
      %select_n3A_132 = arith.select %lt3A_122, %and3A_128, %shift_left3A_131 : vector<16xi1>, vector<16xi32>
      %bitcast3A_133 = vector.bitcast %select_n3A_132 : vector<16xi32> to vector<16xf32>
      %add3A_134 = arith.addf %scan3A_101, %bitcast3A_133 : vector<16xf32>
      %gather3A_135 = tpu.vector_load_idx %arg6[%broadcast_in_dim3A_108, %add3A_60] : memref<200x128xi32, #tpu.memory_space<vmem>>[vector<16xi32>, vector<16xi32>], vector<16xi32>,
      %lt3A_136 = arith.constant 50048 : i32
      %lt3A_137 = vector.broadcast %lt3A_136 : i32 to vector<16xi32>
      %lt3A_138 = arith.cmpi slt, %gather3A_135, %lt3A_137 : vector<16xi32>
      %sub3A_139 = arith.constant 50048 : i32
      %sub3A_140 = vector.broadcast %sub3A_139 : i32 to vector<16xi32>
      %sub3A_141 = arith.subi %gather3A_135, %sub3A_140 : vector<16xi32>
      %select_n3A_142 = arith.select %lt3A_138, %gather3A_135, %sub3A_141 : vector<16xi1>, vector<16xi32>
      %gather3A_143 = tpu.vector_load_idx %arg5[%select_n3A_142] : memref<50048xi32, #tpu.memory_space<vmem>>[vector<16xi32>], vector<16xi32>,
      %and3A_144 = arith.andi %gather3A_143, %broadcast_in_dim3A_76 : vector<16xi32>
      %shift_left3A_145 = arith.constant 16 : i32
      %shift_left3A_146 = vector.broadcast %shift_left3A_145 : i32 to vector<16xi32>
      %shift_left3A_147 = arith.shli %gather3A_143, %shift_left3A_146 : vector<16xi32>
      %select_n3A_148 = arith.select %lt3A_138, %and3A_144, %shift_left3A_147 : vector<16xi1>, vector<16xi32>
      %bitcast3A_149 = vector.bitcast %select_n3A_148 : vector<16xi32> to vector<16xf32>
      %add3A_150 = arith.addf %scan3A_102, %bitcast3A_149 : vector<16xf32>
      %gather3A_151 = tpu.vector_load_idx %arg6[%broadcast_in_dim3A_108, %add3A_63] : memref<200x128xi32, #tpu.memory_space<vmem>>[vector<16xi32>, vector<16xi32>], vector<16xi32>,
      %lt3A_152 = arith.constant 50048 : i32
      %lt3A_153 = vector.broadcast %lt3A_152 : i32 to vector<16xi32>
      %lt3A_154 = arith.cmpi slt, %gather3A_151, %lt3A_153 : vector<16xi32>
      %sub3A_155 = arith.constant 50048 : i32
      %sub3A_156 = vector.broadcast %sub3A_155 : i32 to vector<16xi32>
      %sub3A_157 = arith.subi %gather3A_151, %sub3A_156 : vector<16xi32>
      %select_n3A_158 = arith.select %lt3A_154, %gather3A_151, %sub3A_157 : vector<16xi1>, vector<16xi32>
      %gather3A_159 = tpu.vector_load_idx %arg5[%select_n3A_158] : memref<50048xi32, #tpu.memory_space<vmem>>[vector<16xi32>], vector<16xi32>,
      %and3A_160 = arith.andi %gather3A_159, %broadcast_in_dim3A_76 : vector<16xi32>
      %shift_left3A_161 = arith.constant 16 : i32
      %shift_left3A_162 = vector.broadcast %shift_left3A_161 : i32 to vector<16xi32>
      %shift_left3A_163 = arith.shli %gather3A_159, %shift_left3A_162 : vector<16xi32>
      %select_n3A_164 = arith.select %lt3A_154, %and3A_160, %shift_left3A_163 : vector<16xi1>, vector<16xi32>
      %bitcast3A_165 = vector.bitcast %select_n3A_164 : vector<16xi32> to vector<16xf32>
      %add3A_166 = arith.addf %scan3A_103, %bitcast3A_165 : vector<16xf32>
      %gather3A_167 = tpu.vector_load_idx %arg6[%broadcast_in_dim3A_108, %add3A_66] : memref<200x128xi32, #tpu.memory_space<vmem>>[vector<16xi32>, vector<16xi32>], vector<16xi32>,
      %lt3A_168 = arith.constant 50048 : i32
      %lt3A_169 = vector.broadcast %lt3A_168 : i32 to vector<16xi32>
      %lt3A_170 = arith.cmpi slt, %gather3A_167, %lt3A_169 : vector<16xi32>
      %sub3A_171 = arith.constant 50048 : i32
      %sub3A_172 = vector.broadcast %sub3A_171 : i32 to vector<16xi32>
      %sub3A_173 = arith.subi %gather3A_167, %sub3A_172 : vector<16xi32>
      %select_n3A_174 = arith.select %lt3A_170, %gather3A_167, %sub3A_173 : vector<16xi1>, vector<16xi32>
      %gather3A_175 = tpu.vector_load_idx %arg5[%select_n3A_174] : memref<50048xi32, #tpu.memory_space<vmem>>[vector<16xi32>], vector<16xi32>,
      %and3A_176 = arith.andi %gather3A_175, %broadcast_in_dim3A_76 : vector<16xi32>
      %shift_left3A_177 = arith.constant 16 : i32
      %shift_left3A_178 = vector.broadcast %shift_left3A_177 : i32 to vector<16xi32>
      %shift_left3A_179 = arith.shli %gather3A_175, %shift_left3A_178 : vector<16xi32>
      %select_n3A_180 = arith.select %lt3A_170, %and3A_176, %shift_left3A_179 : vector<16xi1>, vector<16xi32>
      %bitcast3A_181 = vector.bitcast %select_n3A_180 : vector<16xi32> to vector<16xf32>
      %add3A_182 = arith.addf %scan3A_104, %bitcast3A_181 : vector<16xf32>
      %gather3A_183 = tpu.vector_load_idx %arg6[%broadcast_in_dim3A_108, %add3A_69] : memref<200x128xi32, #tpu.memory_space<vmem>>[vector<16xi32>, vector<16xi32>], vector<16xi32>,
      %lt3A_184 = arith.constant 50048 : i32
      %lt3A_185 = vector.broadcast %lt3A_184 : i32 to vector<16xi32>
      %lt3A_186 = arith.cmpi slt, %gather3A_183, %lt3A_185 : vector<16xi32>
      %sub3A_187 = arith.constant 50048 : i32
      %sub3A_188 = vector.broadcast %sub3A_187 : i32 to vector<16xi32>
      %sub3A_189 = arith.subi %gather3A_183, %sub3A_188 : vector<16xi32>
      %select_n3A_190 = arith.select %lt3A_186, %gather3A_183, %sub3A_189 : vector<16xi1>, vector<16xi32>
      %gather3A_191 = tpu.vector_load_idx %arg5[%select_n3A_190] : memref<50048xi32, #tpu.memory_space<vmem>>[vector<16xi32>], vector<16xi32>,
      %and3A_192 = arith.andi %gather3A_191, %broadcast_in_dim3A_76 : vector<16xi32>
      %shift_left3A_193 = arith.constant 16 : i32
      %shift_left3A_194 = vector.broadcast %shift_left3A_193 : i32 to vector<16xi32>
      %shift_left3A_195 = arith.shli %gather3A_191, %shift_left3A_194 : vector<16xi32>
      %select_n3A_196 = arith.select %lt3A_186, %and3A_192, %shift_left3A_195 : vector<16xi1>, vector<16xi32>
      %bitcast3A_197 = vector.bitcast %select_n3A_196 : vector<16xi32> to vector<16xf32>
      %add3A_198 = arith.addf %scan3A_105, %bitcast3A_197 : vector<16xf32>
      %gather3A_199 = tpu.vector_load_idx %arg6[%broadcast_in_dim3A_108, %add3A_72] : memref<200x128xi32, #tpu.memory_space<vmem>>[vector<16xi32>, vector<16xi32>], vector<16xi32>,
      %lt3A_200 = arith.constant 50048 : i32
      %lt3A_201 = vector.broadcast %lt3A_200 : i32 to vector<16xi32>
      %lt3A_202 = arith.cmpi slt, %gather3A_199, %lt3A_201 : vector<16xi32>
      %sub3A_203 = arith.constant 50048 : i32
      %sub3A_204 = vector.broadcast %sub3A_203 : i32 to vector<16xi32>
      %sub3A_205 = arith.subi %gather3A_199, %sub3A_204 : vector<16xi32>
      %select_n3A_206 = arith.select %lt3A_202, %gather3A_199, %sub3A_205 : vector<16xi1>, vector<16xi32>
      %gather3A_207 = tpu.vector_load_idx %arg5[%select_n3A_206] : memref<50048xi32, #tpu.memory_space<vmem>>[vector<16xi32>], vector<16xi32>,
      %and3A_208 = arith.andi %gather3A_207, %broadcast_in_dim3A_76 : vector<16xi32>
      %shift_left3A_209 = arith.constant 16 : i32
      %shift_left3A_210 = vector.broadcast %shift_left3A_209 : i32 to vector<16xi32>
      %shift_left3A_211 = arith.shli %gather3A_207, %shift_left3A_210 : vector<16xi32>
      %select_n3A_212 = arith.select %lt3A_202, %and3A_208, %shift_left3A_211 : vector<16xi1>, vector<16xi32>
      %bitcast3A_213 = vector.bitcast %select_n3A_212 : vector<16xi32> to vector<16xf32>
      %add3A_214 = arith.addf %scan3A_106, %bitcast3A_213 : vector<16xf32>
      %gather3A_215 = tpu.vector_load_idx %arg6[%broadcast_in_dim3A_108, %add3A_75] : memref<200x128xi32, #tpu.memory_space<vmem>>[vector<16xi32>, vector<16xi32>], vector<16xi32>,
      %lt3A_216 = arith.constant 50048 : i32
      %lt3A_217 = vector.broadcast %lt3A_216 : i32 to vector<16xi32>
      %lt3A_218 = arith.cmpi slt, %gather3A_215, %lt3A_217 : vector<16xi32>
      %sub3A_219 = arith.constant 50048 : i32
      %sub3A_220 = vector.broadcast %sub3A_219 : i32 to vector<16xi32>
      %sub3A_221 = arith.subi %gather3A_215, %sub3A_220 : vector<16xi32>
      %select_n3A_222 = arith.select %lt3A_218, %gather3A_215, %sub3A_221 : vector<16xi1>, vector<16xi32>
      %gather3A_223 = tpu.vector_load_idx %arg5[%select_n3A_222] : memref<50048xi32, #tpu.memory_space<vmem>>[vector<16xi32>], vector<16xi32>,
      %and3A_224 = arith.andi %gather3A_223, %broadcast_in_dim3A_76 : vector<16xi32>
      %shift_left3A_225 = arith.constant 16 : i32
      %shift_left3A_226 = vector.broadcast %shift_left3A_225 : i32 to vector<16xi32>
      %shift_left3A_227 = arith.shli %gather3A_223, %shift_left3A_226 : vector<16xi32>
      %select_n3A_228 = arith.select %lt3A_218, %and3A_224, %shift_left3A_227 : vector<16xi1>, vector<16xi32>
      %bitcast3A_229 = vector.bitcast %select_n3A_228 : vector<16xi32> to vector<16xf32>
      %add3A_230 = arith.addf %scan3A_107, %bitcast3A_229 : vector<16xf32>
      %scan3A_231 = arith.constant 1 : i32
      %scan3A_232 = arith.addi %scan3A_99, %scan3A_231 : i32
      %broadcast_in_dim3A_233 = vector.broadcast %scan3A_232 : i32 to vector<16xi32>
      %gather3A_234 = tpu.vector_load_idx %arg6[%broadcast_in_dim3A_233, %add3A_54] : memref<200x128xi32, #tpu.memory_space<vmem>>[vector<16xi32>, vector<16xi32>], vector<16xi32>,
      %lt3A_235 = arith.constant 50048 : i32
      %lt3A_236 = vector.broadcast %lt3A_235 : i32 to vector<16xi32>
      %lt3A_237 = arith.cmpi slt, %gather3A_234, %lt3A_236 : vector<16xi32>
      %sub3A_238 = arith.constant 50048 : i32
      %sub3A_239 = vector.broadcast %sub3A_238 : i32 to vector<16xi32>
      %sub3A_240 = arith.subi %gather3A_234, %sub3A_239 : vector<16xi32>
      %select_n3A_241 = arith.select %lt3A_237, %gather3A_234, %sub3A_240 : vector<16xi1>, vector<16xi32>
      %gather3A_242 = tpu.vector_load_idx %arg5[%select_n3A_241] : memref<50048xi32, #tpu.memory_space<vmem>>[vector<16xi32>], vector<16xi32>,
      %and3A_243 = arith.andi %gather3A_242, %broadcast_in_dim3A_76 : vector<16xi32>
      %shift_left3A_244 = arith.constant 16 : i32
      %shift_left3A_245 = vector.broadcast %shift_left3A_244 : i32 to vector<16xi32>
      %shift_left3A_246 = arith.shli %gather3A_242, %shift_left3A_245 : vector<16xi32>
      %select_n3A_247 = arith.select %lt3A_237, %and3A_243, %shift_left3A_246 : vector<16xi1>, vector<16xi32>
      %bitcast3A_248 = vector.bitcast %select_n3A_247 : vector<16xi32> to vector<16xf32>
      %add3A_249 = arith.addf %add3A_118, %bitcast3A_248 : vector<16xf32>
      %gather3A_250 = tpu.vector_load_idx %arg6[%broadcast_in_dim3A_233, %add3A_57] : memref<200x128xi32, #tpu.memory_space<vmem>>[vector<16xi32>, vector<16xi32>], vector<16xi32>,
      %lt3A_251 = arith.constant 50048 : i32
      %lt3A_252 = vector.broadcast %lt3A_251 : i32 to vector<16xi32>
      %lt3A_253 = arith.cmpi slt, %gather3A_250, %lt3A_252 : vector<16xi32>
      %sub3A_254 = arith.constant 50048 : i32
      %sub3A_255 = vector.broadcast %sub3A_254 : i32 to vector<16xi32>
      %sub3A_256 = arith.subi %gather3A_250, %sub3A_255 : vector<16xi32>
      %select_n3A_257 = arith.select %lt3A_253, %gather3A_250, %sub3A_256 : vector<16xi1>, vector<16xi32>
      %gather3A_258 = tpu.vector_load_idx %arg5[%select_n3A_257] : memref<50048xi32, #tpu.memory_space<vmem>>[vector<16xi32>], vector<16xi32>,
      %and3A_259 = arith.andi %gather3A_258, %broadcast_in_dim3A_76 : vector<16xi32>
      %shift_left3A_260 = arith.constant 16 : i32
      %shift_left3A_261 = vector.broadcast %shift_left3A_260 : i32 to vector<16xi32>
      %shift_left3A_262 = arith.shli %gather3A_258, %shift_left3A_261 : vector<16xi32>
      %select_n3A_263 = arith.select %lt3A_253, %and3A_259, %shift_left3A_262 : vector<16xi1>, vector<16xi32>
      %bitcast3A_264 = vector.bitcast %select_n3A_263 : vector<16xi32> to vector<16xf32>
      %add3A_265 = arith.addf %add3A_134, %bitcast3A_264 : vector<16xf32>
      %gather3A_266 = tpu.vector_load_idx %arg6[%broadcast_in_dim3A_233, %add3A_60] : memref<200x128xi32, #tpu.memory_space<vmem>>[vector<16xi32>, vector<16xi32>], vector<16xi32>,
      %lt3A_267 = arith.constant 50048 : i32
      %lt3A_268 = vector.broadcast %lt3A_267 : i32 to vector<16xi32>
      %lt3A_269 = arith.cmpi slt, %gather3A_266, %lt3A_268 : vector<16xi32>
      %sub3A_270 = arith.constant 50048 : i32
      %sub3A_271 = vector.broadcast %sub3A_270 : i32 to vector<16xi32>
      %sub3A_272 = arith.subi %gather3A_266, %sub3A_271 : vector<16xi32>
      %select_n3A_273 = arith.select %lt3A_269, %gather3A_266, %sub3A_272 : vector<16xi1>, vector<16xi32>
      %gather3A_274 = tpu.vector_load_idx %arg5[%select_n3A_273] : memref<50048xi32, #tpu.memory_space<vmem>>[vector<16xi32>], vector<16xi32>,
      %and3A_275 = arith.andi %gather3A_274, %broadcast_in_dim3A_76 : vector<16xi32>
      %shift_left3A_276 = arith.constant 16 : i32
      %shift_left3A_277 = vector.broadcast %shift_left3A_276 : i32 to vector<16xi32>
      %shift_left3A_278 = arith.shli %gather3A_274, %shift_left3A_277 : vector<16xi32>
      %select_n3A_279 = arith.select %lt3A_269, %and3A_275, %shift_left3A_278 : vector<16xi1>, vector<16xi32>
      %bitcast3A_280 = vector.bitcast %select_n3A_279 : vector<16xi32> to vector<16xf32>
      %add3A_281 = arith.addf %add3A_150, %bitcast3A_280 : vector<16xf32>
      %gather3A_282 = tpu.vector_load_idx %arg6[%broadcast_in_dim3A_233, %add3A_63] : memref<200x128xi32, #tpu.memory_space<vmem>>[vector<16xi32>, vector<16xi32>], vector<16xi32>,
      %lt3A_283 = arith.constant 50048 : i32
      %lt3A_284 = vector.broadcast %lt3A_283 : i32 to vector<16xi32>
      %lt3A_285 = arith.cmpi slt, %gather3A_282, %lt3A_284 : vector<16xi32>
      %sub3A_286 = arith.constant 50048 : i32
      %sub3A_287 = vector.broadcast %sub3A_286 : i32 to vector<16xi32>
      %sub3A_288 = arith.subi %gather3A_282, %sub3A_287 : vector<16xi32>
      %select_n3A_289 = arith.select %lt3A_285, %gather3A_282, %sub3A_288 : vector<16xi1>, vector<16xi32>
      %gather3A_290 = tpu.vector_load_idx %arg5[%select_n3A_289] : memref<50048xi32, #tpu.memory_space<vmem>>[vector<16xi32>], vector<16xi32>,
      %and3A_291 = arith.andi %gather3A_290, %broadcast_in_dim3A_76 : vector<16xi32>
      %shift_left3A_292 = arith.constant 16 : i32
      %shift_left3A_293 = vector.broadcast %shift_left3A_292 : i32 to vector<16xi32>
      %shift_left3A_294 = arith.shli %gather3A_290, %shift_left3A_293 : vector<16xi32>
      %select_n3A_295 = arith.select %lt3A_285, %and3A_291, %shift_left3A_294 : vector<16xi1>, vector<16xi32>
      %bitcast3A_296 = vector.bitcast %select_n3A_295 : vector<16xi32> to vector<16xf32>
      %add3A_297 = arith.addf %add3A_166, %bitcast3A_296 : vector<16xf32>
      %gather3A_298 = tpu.vector_load_idx %arg6[%broadcast_in_dim3A_233, %add3A_66] : memref<200x128xi32, #tpu.memory_space<vmem>>[vector<16xi32>, vector<16xi32>], vector<16xi32>,
      %lt3A_299 = arith.constant 50048 : i32
      %lt3A_300 = vector.broadcast %lt3A_299 : i32 to vector<16xi32>
      %lt3A_301 = arith.cmpi slt, %gather3A_298, %lt3A_300 : vector<16xi32>
      %sub3A_302 = arith.constant 50048 : i32
      %sub3A_303 = vector.broadcast %sub3A_302 : i32 to vector<16xi32>
      %sub3A_304 = arith.subi %gather3A_298, %sub3A_303 : vector<16xi32>
      %select_n3A_305 = arith.select %lt3A_301, %gather3A_298, %sub3A_304 : vector<16xi1>, vector<16xi32>
      %gather3A_306 = tpu.vector_load_idx %arg5[%select_n3A_305] : memref<50048xi32, #tpu.memory_space<vmem>>[vector<16xi32>], vector<16xi32>,
      %and3A_307 = arith.andi %gather3A_306, %broadcast_in_dim3A_76 : vector<16xi32>
      %shift_left3A_308 = arith.constant 16 : i32
      %shift_left3A_309 = vector.broadcast %shift_left3A_308 : i32 to vector<16xi32>
      %shift_left3A_310 = arith.shli %gather3A_306, %shift_left3A_309 : vector<16xi32>
      %select_n3A_311 = arith.select %lt3A_301, %and3A_307, %shift_left3A_310 : vector<16xi1>, vector<16xi32>
      %bitcast3A_312 = vector.bitcast %select_n3A_311 : vector<16xi32> to vector<16xf32>
      %add3A_313 = arith.addf %add3A_182, %bitcast3A_312 : vector<16xf32>
      %gather3A_314 = tpu.vector_load_idx %arg6[%broadcast_in_dim3A_233, %add3A_69] : memref<200x128xi32, #tpu.memory_space<vmem>>[vector<16xi32>, vector<16xi32>], vector<16xi32>,
      %lt3A_315 = arith.constant 50048 : i32
      %lt3A_316 = vector.broadcast %lt3A_315 : i32 to vector<16xi32>
      %lt3A_317 = arith.cmpi slt, %gather3A_314, %lt3A_316 : vector<16xi32>
      %sub3A_318 = arith.constant 50048 : i32
      %sub3A_319 = vector.broadcast %sub3A_318 : i32 to vector<16xi32>
      %sub3A_320 = arith.subi %gather3A_314, %sub3A_319 : vector<16xi32>
      %select_n3A_321 = arith.select %lt3A_317, %gather3A_314, %sub3A_320 : vector<16xi1>, vector<16xi32>
      %gather3A_322 = tpu.vector_load_idx %arg5[%select_n3A_321] : memref<50048xi32, #tpu.memory_space<vmem>>[vector<16xi32>], vector<16xi32>,
      %and3A_323 = arith.andi %gather3A_322, %broadcast_in_dim3A_76 : vector<16xi32>
      %shift_left3A_324 = arith.constant 16 : i32
      %shift_left3A_325 = vector.broadcast %shift_left3A_324 : i32 to vector<16xi32>
      %shift_left3A_326 = arith.shli %gather3A_322, %shift_left3A_325 : vector<16xi32>
      %select_n3A_327 = arith.select %lt3A_317, %and3A_323, %shift_left3A_326 : vector<16xi1>, vector<16xi32>
      %bitcast3A_328 = vector.bitcast %select_n3A_327 : vector<16xi32> to vector<16xf32>
      %add3A_329 = arith.addf %add3A_198, %bitcast3A_328 : vector<16xf32>
      %gather3A_330 = tpu.vector_load_idx %arg6[%broadcast_in_dim3A_233, %add3A_72] : memref<200x128xi32, #tpu.memory_space<vmem>>[vector<16xi32>, vector<16xi32>], vector<16xi32>,
      %lt3A_331 = arith.constant 50048 : i32
      %lt3A_332 = vector.broadcast %lt3A_331 : i32 to vector<16xi32>
      %lt3A_333 = arith.cmpi slt, %gather3A_330, %lt3A_332 : vector<16xi32>
      %sub3A_334 = arith.constant 50048 : i32
      %sub3A_335 = vector.broadcast %sub3A_334 : i32 to vector<16xi32>
      %sub3A_336 = arith.subi %gather3A_330, %sub3A_335 : vector<16xi32>
      %select_n3A_337 = arith.select %lt3A_333, %gather3A_330, %sub3A_336 : vector<16xi1>, vector<16xi32>
      %gather3A_338 = tpu.vector_load_idx %arg5[%select_n3A_337] : memref<50048xi32, #tpu.memory_space<vmem>>[vector<16xi32>], vector<16xi32>,
      %and3A_339 = arith.andi %gather3A_338, %broadcast_in_dim3A_76 : vector<16xi32>
      %shift_left3A_340 = arith.constant 16 : i32
      %shift_left3A_341 = vector.broadcast %shift_left3A_340 : i32 to vector<16xi32>
      %shift_left3A_342 = arith.shli %gather3A_338, %shift_left3A_341 : vector<16xi32>
      %select_n3A_343 = arith.select %lt3A_333, %and3A_339, %shift_left3A_342 : vector<16xi1>, vector<16xi32>
      %bitcast3A_344 = vector.bitcast %select_n3A_343 : vector<16xi32> to vector<16xf32>
      %add3A_345 = arith.addf %add3A_214, %bitcast3A_344 : vector<16xf32>
      %gather3A_346 = tpu.vector_load_idx %arg6[%broadcast_in_dim3A_233, %add3A_75] : memref<200x128xi32, #tpu.memory_space<vmem>>[vector<16xi32>, vector<16xi32>], vector<16xi32>,
      %lt3A_347 = arith.constant 50048 : i32
      %lt3A_348 = vector.broadcast %lt3A_347 : i32 to vector<16xi32>
      %lt3A_349 = arith.cmpi slt, %gather3A_346, %lt3A_348 : vector<16xi32>
      %sub3A_350 = arith.constant 50048 : i32
      %sub3A_351 = vector.broadcast %sub3A_350 : i32 to vector<16xi32>
      %sub3A_352 = arith.subi %gather3A_346, %sub3A_351 : vector<16xi32>
      %select_n3A_353 = arith.select %lt3A_349, %gather3A_346, %sub3A_352 : vector<16xi1>, vector<16xi32>
      %gather3A_354 = tpu.vector_load_idx %arg5[%select_n3A_353] : memref<50048xi32, #tpu.memory_space<vmem>>[vector<16xi32>], vector<16xi32>,
      %and3A_355 = arith.andi %gather3A_354, %broadcast_in_dim3A_76 : vector<16xi32>
      %shift_left3A_356 = arith.constant 16 : i32
      %shift_left3A_357 = vector.broadcast %shift_left3A_356 : i32 to vector<16xi32>
      %shift_left3A_358 = arith.shli %gather3A_354, %shift_left3A_357 : vector<16xi32>
      %select_n3A_359 = arith.select %lt3A_349, %and3A_355, %shift_left3A_358 : vector<16xi1>, vector<16xi32>
      %bitcast3A_360 = vector.bitcast %select_n3A_359 : vector<16xi32> to vector<16xf32>
      %add3A_361 = arith.addf %add3A_230, %bitcast3A_360 : vector<16xf32>
      scf.yield %add3A_249, %add3A_265, %add3A_281, %add3A_297, %add3A_313, %add3A_329, %add3A_345, %add3A_361 : vector<16xf32>, vector<16xf32>, vector<16xf32>, vector<16xf32>, vector<16xf32>, vector<16xf32>, vector<16xf32>, vector<16xf32>
    }
    %scan3A_83 = arith.constant 200 : i32
    %swap3A = arith.constant 0 : index
    %swap3A_84 = tpu.vector_load %arg7[%swap3A] {strides = array<i32>} : memref<128xf32, #tpu.memory_space<vmem>>, vector<16xf32>,
    tpu.vector_store %arg7[%swap3A], %scan3A_82#0 {strides = array<i32>} : memref<128xf32, #tpu.memory_space<vmem>>, vector<16xf32>,
    %swap3A_85 = arith.constant 16 : index
    %swap3A_86 = tpu.vector_load %arg7[%swap3A_85] {strides = array<i32>} : memref<128xf32, #tpu.memory_space<vmem>>, vector<16xf32>,
    tpu.vector_store %arg7[%swap3A_85], %scan3A_82#1 {strides = array<i32>} : memref<128xf32, #tpu.memory_space<vmem>>, vector<16xf32>,
    %swap3A_87 = arith.constant 32 : index
    %swap3A_88 = tpu.vector_load %arg7[%swap3A_87] {strides = array<i32>} : memref<128xf32, #tpu.memory_space<vmem>>, vector<16xf32>,
    tpu.vector_store %arg7[%swap3A_87], %scan3A_82#2 {strides = array<i32>} : memref<128xf32, #tpu.memory_space<vmem>>, vector<16xf32>,
    %swap3A_89 = arith.constant 48 : index
    %swap3A_90 = tpu.vector_load %arg7[%swap3A_89] {strides = array<i32>} : memref<128xf32, #tpu.memory_space<vmem>>, vector<16xf32>,
    tpu.vector_store %arg7[%swap3A_89], %scan3A_82#3 {strides = array<i32>} : memref<128xf32, #tpu.memory_space<vmem>>, vector<16xf32>,
    %swap3A_91 = arith.constant 64 : index
    %swap3A_92 = tpu.vector_load %arg7[%swap3A_91] {strides = array<i32>} : memref<128xf32, #tpu.memory_space<vmem>>, vector<16xf32>,
    tpu.vector_store %arg7[%swap3A_91], %scan3A_82#4 {strides = array<i32>} : memref<128xf32, #tpu.memory_space<vmem>>, vector<16xf32>,
    %swap3A_93 = arith.constant 80 : index
    %swap3A_94 = tpu.vector_load %arg7[%swap3A_93] {strides = array<i32>} : memref<128xf32, #tpu.memory_space<vmem>>, vector<16xf32>,
    tpu.vector_store %arg7[%swap3A_93], %scan3A_82#5 {strides = array<i32>} : memref<128xf32, #tpu.memory_space<vmem>>, vector<16xf32>,
    %swap3A_95 = arith.constant 96 : index
    %swap3A_96 = tpu.vector_load %arg7[%swap3A_95] {strides = array<i32>} : memref<128xf32, #tpu.memory_space<vmem>>, vector<16xf32>,
    tpu.vector_store %arg7[%swap3A_95], %scan3A_82#6 {strides = array<i32>} : memref<128xf32, #tpu.memory_space<vmem>>, vector<16xf32>,
    %swap3A_97 = arith.constant 112 : index
    %swap3A_98 = tpu.vector_load %arg7[%swap3A_97] {strides = array<i32>} : memref<128xf32, #tpu.memory_space<vmem>>, vector<16xf32>,
    tpu.vector_store %arg7[%swap3A_97], %scan3A_82#7 {strides = array<i32>} : memref<128xf32, #tpu.memory_space<vmem>>, vector<16xf32>,
    "tpu.region"() ({
      %run_scoped3A = tpu.sem_alloc : memref<!tpu.dma_semaphore, #tpu.memory_space<semaphore_mem>>
      %dma_start3A_99 = tpu.memref_slice %arg4[%mul3A_2] : memref<4096xf32, #tpu.memory_space<hbm>> -> memref<128xf32, #tpu.memory_space<hbm>>
      %dma_start3A_100 = tpu.memref_slice %arg4[%mul3A_2] : memref<4096xf32, #tpu.memory_space<hbm>> -> memref<128xf32, #tpu.memory_space<hbm>>
      tpu.enqueue_dma source(%arg7 : memref<128xf32, #tpu.memory_space<vmem>>) target(%dma_start3A_100 : memref<128xf32, #tpu.memory_space<hbm>>) target_semaphore(%run_scoped3A : memref<!tpu.dma_semaphore, #tpu.memory_space<semaphore_mem>>)
      %dma_wait3A_101 = tpu.memref_slice %arg4[%mul3A_2] : memref<4096xf32, #tpu.memory_space<hbm>> -> memref<128xf32, #tpu.memory_space<hbm>>
      %dma_wait3A_102 = tpu.memref_slice %arg4[%mul3A_2] : memref<4096xf32, #tpu.memory_space<hbm>> -> memref<128xf32, #tpu.memory_space<hbm>>
      tpu.wait_dma2 semaphore(%run_scoped3A : memref<!tpu.dma_semaphore, #tpu.memory_space<semaphore_mem>>) src(%arg7 : memref<128xf32, #tpu.memory_space<vmem>>) dst(%dma_wait3A_102 : memref<128xf32, #tpu.memory_space<hbm>>)
      tpu.yield
    }) : () -> ()
    return
  }
}

module attributes {stable_mosaic.version = 14 : i64} {
  func.func @_matvec_body(%arg0: i32, %arg1: memref<8x100000xf32, #tpu.memory_space<vmem>>, %arg2: memref<8x1xf32, #tpu.memory_space<vmem>>, %arg3: memref<1x1xf32, #tpu.memory_space<vmem>>, %arg4: memref<1x50048xi32, #tpu.memory_space<vmem>>, %arg5: memref<1x100000xf32, #tpu.memory_space<vmem>>) attributes {dimension_semantics = [#tpu.dimension_semantics<arbitrary>], iteration_bounds = array<i64: 8>, scalar_prefetch = 0 : i64, scratch_operands = 1 : i64, tpu.core_type = #tpu.core_type<tc>, window_params = [{transform_indices = @transform_0, window_bounds = array<i64: 8, 100000>}, {transform_indices = @transform_1, window_bounds = array<i64: 8, 1>}, {pipeline_mode = #tpu.pipeline_mode<synchronous>, transform_indices = @transform_2, window_bounds = array<i64: 1, 1>}, {pipeline_mode = #tpu.pipeline_mode<synchronous>, transform_indices = @transform_3, window_bounds = array<i64: 1, 50048>}]} {
    %get3A = arith.constant 0 : index
    %get3A_0 = arith.constant 0 : index
    %get3A_1 = vector.load %arg1[%get3A, %get3A_0] : memref<8x100000xf32, #tpu.memory_space<vmem>>, vector<8x100000xf32>
    %get3A_2 = arith.constant 0 : index
    %get3A_3 = arith.constant 0 : index
    %get3A_4 = vector.load %arg2[%get3A_2, %get3A_3] : memref<8x1xf32, #tpu.memory_space<vmem>>, vector<8x1xf32>
    %mul3A = vector.broadcast %get3A_4 : vector<8x1xf32> to vector<8x100000xf32>
    %mul3A_5 = arith.mulf %get3A_1, %mul3A : vector<8x100000xf32>
    %reduce_sum3A = arith.constant dense<0.000000e+00> : vector<100000xf32>
    %reduce_sum3A_6 = vector.multi_reduction <add>, %mul3A_5, %reduce_sum3A [0] : vector<8x100000xf32> to vector<100000xf32>
    %broadcast_in_dim3A = vector.shape_cast %reduce_sum3A_6 : vector<100000xf32> to vector<1x100000xf32>
    %eq3A = arith.constant 0 : i32
    %eq3A_7 = arith.cmpi eq, %arg0, %eq3A : i32
    %convert_element_type3A = arith.extui %eq3A_7 : i1 to i32
    %cond3A = arith.constant 0 : i32
    %cond3A_8 = arith.cmpi ne, %convert_element_type3A, %cond3A : i32
    scf.if %cond3A_8 {
      %get3A_18 = arith.constant 0 : index
      %get3A_19 = arith.constant 0 : index
      %get3A_20 = vector.load %arg3[%get3A_18, %get3A_19] : memref<1x1xf32, #tpu.memory_space<vmem>>, vector<1x1xf32>
      %add3A = vector.broadcast %get3A_20 : vector<1x1xf32> to vector<1x100000xf32>
      %add3A_21 = arith.addf %broadcast_in_dim3A, %add3A : vector<1x100000xf32>
      %swap3A = arith.constant 0 : index
      %swap3A_22 = arith.constant 0 : index
      %swap3A_23 = vector.load %arg5[%swap3A, %swap3A_22] : memref<1x100000xf32, #tpu.memory_space<vmem>>, vector<1x100000xf32>
      tpu.vector_store %arg5[%swap3A, %swap3A_22], %add3A_21 {strides = array<i32>} : memref<1x100000xf32, #tpu.memory_space<vmem>>, vector<1x100000xf32>,
    } else {
    }
    %ne3A = arith.constant 0 : i32
    %ne3A_9 = arith.cmpi ne, %arg0, %ne3A : i32
    %convert_element_type3A_10 = arith.extui %ne3A_9 : i1 to i32
    %cond3A_11 = arith.constant 0 : i32
    %cond3A_12 = arith.cmpi ne, %convert_element_type3A_10, %cond3A_11 : i32
    scf.if %cond3A_12 {
      %get3A_18 = arith.constant 0 : index
      %get3A_19 = arith.constant 0 : index
      %get3A_20 = vector.load %arg5[%get3A_18, %get3A_19] : memref<1x100000xf32, #tpu.memory_space<vmem>>, vector<1x100000xf32>
      %add3A = arith.addf %get3A_20, %broadcast_in_dim3A : vector<1x100000xf32>
      %swap3A = arith.constant 0 : index
      %swap3A_21 = arith.constant 0 : index
      %swap3A_22 = vector.load %arg5[%swap3A, %swap3A_21] : memref<1x100000xf32, #tpu.memory_space<vmem>>, vector<1x100000xf32>
      tpu.vector_store %arg5[%swap3A, %swap3A_21], %add3A {strides = array<i32>} : memref<1x100000xf32, #tpu.memory_space<vmem>>, vector<1x100000xf32>,
    } else {
    }
    %eq3A_13 = arith.constant 7 : i32
    %eq3A_14 = arith.cmpi eq, %arg0, %eq3A_13 : i32
    %convert_element_type3A_15 = arith.extui %eq3A_14 : i1 to i32
    %cond3A_16 = arith.constant 0 : i32
    %cond3A_17 = arith.cmpi ne, %convert_element_type3A_15, %cond3A_16 : i32
    scf.if %cond3A_17 {
      %get3A_18 = arith.constant 0 : index
      %get3A_19 = arith.constant 0 : index
      %get3A_20 = vector.load %arg5[%get3A_18, %get3A_19] : memref<1x100000xf32, #tpu.memory_space<vmem>>, vector<1x100000xf32>
      %slice3A = vector.extract_strided_slice %get3A_20 {offsets = [0, 50048], sizes = [1, 49952], strides = [1, 1]} : vector<1x100000xf32> to vector<1x49952xf32>
      %broadcast_in_dim3A_21 = arith.constant 0.000000e+00 : f32
      %broadcast_in_dim3A_22 = vector.broadcast %broadcast_in_dim3A_21 : f32 to vector<1x96xf32>
      %concatenate3A = tpu.concatenate %slice3A, %broadcast_in_dim3A_22 in 1 : vector<1x49952xf32>, vector<1x96xf32> -> vector<1x50048xf32>
      %slice3A_23 = vector.extract_strided_slice %get3A_20 {offsets = [0, 0], sizes = [1, 50048], strides = [1, 1]} : vector<1x100000xf32> to vector<1x50048xf32>
      %bitcast_convert_type3A = tpu.bitcast %slice3A_23 : vector<1x50048xf32> -> vector<1x50048xi32>
      %add3A = arith.constant 32768 : i32
      %add3A_24 = vector.broadcast %add3A : i32 to vector<1x50048xi32>
      %add3A_25 = arith.addi %bitcast_convert_type3A, %add3A_24 : vector<1x50048xi32>
      %bitcast_convert_type3A_26 = tpu.bitcast %concatenate3A : vector<1x50048xf32> -> vector<1x50048xi32>
      %add3A_27 = arith.constant 32768 : i32
      %add3A_28 = vector.broadcast %add3A_27 : i32 to vector<1x50048xi32>
      %add3A_29 = arith.addi %bitcast_convert_type3A_26, %add3A_28 : vector<1x50048xi32>
      %and3A = arith.constant -65536 : i32
      %and3A_30 = vector.broadcast %and3A : i32 to vector<1x50048xi32>
      %and3A_31 = arith.andi %add3A_25, %and3A_30 : vector<1x50048xi32>
      %shift_right_logical3A = arith.constant 16 : i32
      %shift_right_logical3A_32 = vector.broadcast %shift_right_logical3A : i32 to vector<1x50048xi32>
      %shift_right_logical3A_33 = arith.shrui %add3A_29, %shift_right_logical3A_32 : vector<1x50048xi32>
      %or3A = arith.ori %and3A_31, %shift_right_logical3A_33 : vector<1x50048xi32>
      %swap3A = arith.constant 0 : index
      %swap3A_34 = arith.constant 0 : index
      %swap3A_35 = vector.load %arg4[%swap3A, %swap3A_34] : memref<1x50048xi32, #tpu.memory_space<vmem>>, vector<1x50048xi32>
      tpu.vector_store %arg4[%swap3A, %swap3A_34], %or3A {strides = array<i32>} : memref<1x50048xi32, #tpu.memory_space<vmem>>, vector<1x50048xi32>,
    } else {
    }
    return
  }
  func.func @transform_0(%arg0: i32) -> (i32, i32) {
    %c0_i32 = arith.constant 0 : i32
    %c0_i32_0 = arith.constant 0 : i32
    return %arg0, %c0_i32 : i32, i32
  }
  func.func @transform_1(%arg0: i32) -> (i32, i32) {
    %c0_i32 = arith.constant 0 : i32
    %c0_i32_0 = arith.constant 0 : i32
    return %arg0, %c0_i32 : i32, i32
  }
  func.func @transform_2(%arg0: i32) -> (i32, i32) {
    %c0_i32 = arith.constant 0 : i32
    %c0_i32_0 = arith.constant 0 : i32
    %c0_i32_1 = arith.constant 0 : i32
    return %c0_i32, %c0_i32_0 : i32, i32
  }
  func.func @transform_3(%arg0: i32) -> (i32, i32) {
    %c0_i32 = arith.constant 0 : i32
    %c0_i32_0 = arith.constant 0 : i32
    %c0_i32_1 = arith.constant 0 : i32
    return %c0_i32, %c0_i32_0 : i32, i32
  }
}

</mosaic_0001>

<sc_bundles>
// kernel: kernel.4.cloned.1.call-start
scs
__scs_entry_jumppad:
0x0: {  	(pc) =	sbr.rel $0x88, $3  }
0x1: {  	(tag) =	ssettag $0x0;
	lr =	simm.s32 $0x1  }
0x2: {  	[smem:$0x3F9D] =	sst lr;
	_ =	strace $0xD0000000  }
0x3: {  	_ = 	snop  }
0x4: {  	_ = 	snop  }
0x5: {  	_ = 	snop  }
0x6: {  	_ = 	snop  }
0x7: {  	_ = 	snop  }
__scs_overlays_trampoline_lowered:
0x8: {  	[smem:$0x3FAC] =	sst s0  }
0x9: {  	[smem:$0x3FAD] =	sst s1  }
0xa: {  	[smem:$0x3FAE] =	sst s2  }
0xb: {  	[smem:$0x3FAF] =	sst s3  }
0xc: {  	[smem:$0x3FB0] =	sst s4  }
0xd: {  	[smem:$0x3FB1] =	sst s5  }
0xe: {  	[smem:$0x3FB2] =	sst s6  }
0xf: {  	[smem:$0x3FB3] =	sst s7  }
0x10: {  	[smem:$0x3FB4] =	sst s8  }
0x11: {  	[smem:$0x3FB5] =	sst s9;
	s0 =	simm.s32 @!p0 $0x0  }
0x12: {  	s1 =	sld [smem:$0x3F9B];
	s0 =	simm.s32 @p0 $0x1  }
0x13: {  	[smem:$0x3FB6] =	sst s0;
	s0 =	simm.s32 @!p1 $0x0  }
0x14: {  	s2 =	sld [smem:$0x3F9A];
	s0 =	simm.s32 @p1 $0x1  }
0x15: {  	[smem:$0x3FB7] =	sst s0;
	s0 =	simm.s32 @!p2 $0x0  }
0x16: {  	s3 =	sld [smem:$0x3FDB];
	s0 =	simm.s32 @p2 $0x1  }
0x17: {  	s4 =	simm.s32 $0x1BF5;
	[smem:$0x3FB9] =	sst s0  }
0x18: {  	s0 =	sld [smem:$0x3F9C];
	_ =	swait.ge [sflag:s4], $0x0  }
0x19: {  	s7 =	sld [smem:$0x3F9D]  }
0x1a: {  	s8 =	sadd.s32 $0xFFFFE003, lr  }
0x1b: {  	s9 =	sadd.s32 $0xFFFFFEF7, lr;
	s5 =	simm.s32 $0xFFFFFFFF;
	p2 =	slt.u32 s8, $0xFFFFF086  }
0x1c: {  	p1 =	slt.u32 s9, $0xF7A;
	s5 =	simm.s32 @!p2 $0x0  }
0x1d: {  	s5 =	simm.s32 @p1 $0x1;
	p0 =	seq.s32 s7, s2  }
0x1e: {  	s7 =	smul.u32 @!p0 $0xF7A, s2;
	p2 =	seq.s32 @!p0 s5, $0x0  }
0x1f: {  	s9 =	smul.u32 $0xF7A, s1;
	s8 =	simm.s32 @!p0 $0x1BF5;
	p2 =	por !p2, p0  }
0x20: {  	[sflag:s8] =	ssyncset.s32 @!p0 $0xFFFFF086;
	s6 =	sadd.s32 @!p0 s3, s7;
	s7 =	simm.s32 @!p0 $0x108  }
0x21: {  	s3 =	sadd.s32 s3, s9;
	s6 =	sadd.s32 @!p0 $0x88, s6;
	s7 =	simm.s32 @p2 $0x1082  }
0x22: {  	[simem:s7], [sflag:s8] =	dma.local @!p0 [hbm:s6], $0xF7A  }
0x23: {  	s9 =	sor.u32 $0xD0000000, s2;
	s6 =	simm.s32 $0x108;
	_ =	swait.ge @!p0 [sflag:s8], $0x0  }
0x24: {  	s3 =	sadd.s32 $0x88, s3;
	s6 =	simm.s32 @!p1 $0x1082;
	[sflag:s4] =	ssyncset.s32 $0xFFFFF086  }
0x25: {  	[simem:s6], [sflag:s4] =	dma.local [hbm:s3], $0xF7A  }
0x26: {  	[smem:$0x3F9D] =	sst s1;
	(tag) =	ssettag s2;
	_ =	strace s9  }
0x27: {  	s1 =	sld [smem:$0x3FAD]  }
0x28: {  	s2 =	sld [smem:$0x3FAE]  }
0x29: {  	s4 =	sld [smem:$0x3FB0]  }
0x2a: {  	p0 =	seq.s32 s5, $0x0;
	s5 =	sld [smem:$0x3FB1]  }
0x2b: {  	s6 =	sld [smem:$0x3FB2]  }
0x2c: {  	s7 =	sld [smem:$0x3FB3]  }
0x2d: {  	s3 =	simm.s32 $0x108;
	s8 =	sld [smem:$0x3FB4]  }
0x2e: {  	s3 =	simm.s32 @!p0 $0x1082;
	s9 =	sld [smem:$0x3FB5]  }
0x2f: {  	lr =	sadd.s32 s0, s3;
	s0 =	sld [smem:$0x3FAC]  }
0x30: {  	s3 =	sld [smem:$0x3FAF]  }
0x31: {  	[smem:$0x3FB8] =	sst s10  }
0x32: {  	s10 =	sld [smem:$0x3FB6];
	_ =	sdelay $0x3  }
0x33: {  	p0 =	seq.s32 s10, $0x1;
	s10 =	sld [smem:$0x3FB8];
	_ =	sdelay $0x3  }
0x34: {  	[smem:$0x3FB8] =	sst s10  }
0x35: {  	s10 =	sld [smem:$0x3FB7];
	_ =	sdelay $0x3  }
0x36: {  	p1 =	seq.s32 s10, $0x1;
	s10 =	sld [smem:$0x3FB8];
	_ =	sdelay $0x3  }
0x37: {  	[smem:$0x3FB8] =	sst s10  }
0x38: {  	s10 =	sld [smem:$0x3FB9]  }
0x39: {  	_ = 	snop;
	(pc) =	sbr.ind lr, $3  }
0x3a: {  	_ = 	snop  }
0x3b: {  	_ = 	snop  }
0x3c: {  	p2 =	seq.s32 s10, $0x1;
	s10 =	sld [smem:$0x3FB8]  }
0x3d: {  	_ =	shalt  }
0x3e: {  	_ =	shalt  }
0x3f: {  	_ =	shalt  }
0x40: {  	_ =	shalt  }
0x41: {  	_ =	shalt  }
0x42: {  	_ =	shalt  }
0x43: {  	_ =	shalt  }
0x44: {  	_ =	shalt  }
0x45: {  	_ =	shalt  }
0x46: {  	_ =	shalt  }
0x47: {  	_ =	shalt  }
0x48: {  	_ =	shalt  }
0x49: {  	_ =	shalt  }
0x4a: {  	_ =	shalt  }
0x4b: {  	_ =	shalt  }
0x4c: {  	_ =	shalt  }
0x4d: {  	_ =	shalt  }
0x4e: {  	_ =	shalt  }
0x4f: {  	_ =	shalt  }
0x50: {  	_ =	shalt  }
0x51: {  	_ =	shalt  }
0x52: {  	_ =	shalt  }
0x53: {  	_ =	shalt  }
0x54: {  	_ =	shalt  }
0x55: {  	_ =	shalt  }
0x56: {  	_ =	shalt  }
0x57: {  	_ =	shalt  }
0x58: {  	_ =	shalt  }
0x59: {  	_ =	shalt  }
0x5a: {  	_ =	shalt  }
0x5b: {  	_ =	shalt  }
0x5c: {  	_ =	shalt  }
0x5d: {  	_ =	shalt  }
0x5e: {  	_ =	shalt  }
0x5f: {  	_ =	shalt  }
0x60: {  	_ =	shalt  }
0x61: {  	_ =	shalt  }
0x62: {  	_ =	shalt  }
0x63: {  	_ =	shalt  }
0x64: {  	_ =	shalt  }
0x65: {  	_ =	shalt  }
0x66: {  	_ =	shalt  }
0x67: {  	_ =	shalt  }
0x68: {  	_ =	shalt  }
0x69: {  	_ =	shalt  }
0x6a: {  	_ =	shalt  }
0x6b: {  	_ =	shalt  }
0x6c: {  	_ =	shalt  }
0x6d: {  	_ =	shalt  }
0x6e: {  	_ =	shalt  }
0x6f: {  	_ =	shalt  }
0x70: {  	_ =	shalt  }
0x71: {  	_ =	shalt  }
0x72: {  	_ =	shalt  }
0x73: {  	_ =	shalt  }
0x74: {  	_ =	shalt  }
0x75: {  	_ =	shalt  }
0x76: {  	_ =	shalt  }
0x77: {  	_ =	shalt  }
0x78: {  	_ =	shalt  }
0x79: {  	_ =	shalt  }
0x7a: {  	_ =	shalt  }
0x7b: {  	_ =	shalt  }
0x7c: {  	_ =	shalt  }
0x7d: {  	_ =	shalt  }
0x7e: {  	_ =	shalt  }
0x7f: {  	_ =	shalt  }
0x80: {  	_ =	shalt  }
0x81: {  	_ =	shalt  }
0x82: {  	_ =	shalt  }
0x83: {  	_ =	shalt  }
0x84: {  	_ =	shalt  }
0x85: {  	_ =	shalt  }
0x86: {  	_ =	shalt  }
0x87: {  	_ =	shalt  }
.Lfunc_end0:
.L_simem_size_0:
called_computation_lowered:
.L_overlay_start_0:
0x88: {  	s2 =	sld [smem:$0x3FD9]  }
0x89: {  	s3 =	sld [smem:$0x3FFE];
	_ =	sdelay $0x1  }
0x8a: {  	s1 =	srdreg.scid  }
0x8b: {  	s0 =	sand.u32 $0x1, s1  }
0x8c: {  	s17 =	sshll.u32 s0, $0xA;
	s2 =	sadd.s32 s3, s2  }
0x8d: {  	s2 =	sadd.s32 s2, s17  }
0x8e: {  	[smem:$0x3FC4] =	sst s2  }
0x8f: {  	_ = 	snop  }
0x90: {  	s2 =	sld [smem:$0x3FC9]  }
0x91: {  	s18 =	sld [smem:$0x3FD0];
	(tm) =	ssettm $0x1  }
0x92: {  	s4 =	sld [smem:$0x3FFB];
	_ =	sdelay $0x3  }
0x93: {  	_ =	strace s4  }
0x94: {  	s4 =	sld [smem:$0x3FFC];
	_ =	sdelay $0x3  }
0x95: {  	_ =	strace s4  }
0x96: {  	s4 =	sld [smem:$0x3FFD];
	_ =	sdelay $0x3  }
0x97: {  	_ =	strace s4  }
0x98: {  	_ =	strace $0x8FFFFFFF  }
0x99: {  	s19 =	sld [smem:$0x3FDB];
	_ =	sdelay $0x1  }
0x9a: {  	s5 =	simm.s32 $_scs_section_size  }
0x9b: {  	s6 =	simm.s32 $_size__tile_overlayer_lowered;
	s7 =	simm.s32 $_tile_overlayer_lowered  }
0x9c: {  	s22 =	simm.s32 $0x1BFF;
	s21 =	sshll.u32 s7, $0x1;
	s4 =	sadd.s32 s5, s19  }
0x9d: {  	s8 =	simm.s32 $0x0;
	s20 =	sshll.u32 s6, $0x1;
	s6 =	sadd.s32 s21, s4  }
0x9e: {  	[timem:s8], [sflag:s22] =	dma.local [hbm:s6], s20  }
0x9f: {  	_ =	swait.ge [sflag:s22], s20  }
0xa0: {  	s5 =	ssub.s32 $0x0, s20;
	[sflag:s22] =	ssyncset.done $0x0  }
0xa1: {  	[sflag:s22] =	ssyncadd.s32 s5;
	_ =	sdelay $0x1  }
0xa2: {  	s23 =	simm.s32 $0x1B8B  }
0xa3: {  	_ =	swait.ge [sflag:s23], $0x1  }
0xa4: {  	[sflag:s23] =	ssyncset.done $0x0  }
0xa5: {  	s25 =	simm.s32 $0x1B8E;
	s24 =	sld [smem:$0x3FFE];
	[sflag:s23] =	ssyncadd.s32 $0xFFFFFFFF  }
0xa6: {  	s26 =	simm.s32 $execute0_lowered;
	[smem:$0x3FD2] =	sst s25  }
0xa7: {  	s6 =	sshll.u32 s26, $0x1;
	_ =	strace $0x80000046;
	[dreg:$0x1] =	wrdreg $0xFFFFFFFF  }
0xa8: {  	s28 =	simm.s32 $_size_execute0_lowered;
	s4 =	sadd.s32 s4, s6;
	[dreg:$0x0] =	wrdreg $0x0  }
0xa9: {  	s6 =	sshll.u32 s28, $0x1;
	[dreg:$0x2] =	wrdreg s4  }
0xaa: {  	[dreg:$0x3] =	wrdreg s6  }
0xab: {  	[dreg:$0x4] =	wrdreg $0xC0  }
0xac: {  	_ =	task [dreg:s8], $0x5FFFF  }
0xad: {  	[dreg:$0x1] =	wrdreg $0xFFFFFFFF  }
0xae: {  	[dreg:$0x0] =	wrdreg $0x60  }
0xaf: {  	[dreg:$0x2] =	wrdreg s24  }
0xb0: {  	[dreg:$0x3] =	wrdreg s2  }
0xb1: {  	[dreg:$0x4] =	wrdreg s18  }
0xb2: {  	[dreg:$0x5] =	wrdreg $0x9  }
0xb3: {  	_ =	task.clear_ibuf [dreg:s8], $0x6FFFF;
	_ =	strace $0x90000046  }
0xb4: {  	s29 =	simm.s32 $0x9;
	_ =	strace $0x80000048  }
0xb5: {  	_ =	swait.ge [sflag:s29], $0x1  }
0xb6: {  	[sflag:s29] =	ssyncadd.s32 $0xFFFFFFFF  }
0xb7: {  	_ =	strace $0x90000048  }
0xb8: {  	_ =	sfence  }
0xb9: {  	s30 =	sld [smem:$0x0];
	_ =	sdelay $0x2  }
0xba: {  	s31 =	sshll.u32 s1, $0xD;
	s1 =	sshrl.u32 s1, $0x2  }
0xbb: {  	s3 =	sand.u32 $0x4000, s31;
	s1 =	sadd.s32 s1, s30  }
0xbc: {  	s0 =	sor.u32 s3, s0;
	s1 =	sshll.u32 s1, $0x11  }
0xbd: {  	s0 =	sor.u32 s1, s0  }
0xbe: {  	s0 =	sadd.s32 $0x8F2B, s0  }
0xbf: {  	[sflag:s0] =	ssyncadd.remote.s32 $0x1  }
0xc0: {  	_ =	sfence.sel $0xFFFF  }
0xc1: {  	[dreg:$0x0] =	wrdreg $0xFFFFFFFF;
	(pc) =	sbr.abs _section_cstart, $3  }
0xc2: {  	[dreg:$0x1] =	wrdreg $0xFFFFFFFF  }
0xc3: {  	_ =	task.clear_ibuf [dreg:s8], $0x2FFFF;
	_ =	strace $0x9FFFFFFF  }
0xc4: {  	(tm) =	ssettm $0x7FFFFFFF  }
0xc5: {  	_ =	shalt  }
tec
execute0_lowered:
.L_overlay_start_1:
0x0: {  	(tag) =	ssettag $0x1  }
0x1: {  	s3 =	rddreg [dreg:$0x0]  }
0x2: {  	s8 =	rddreg [dreg:$0x1];
	s1 =	srdreg.scid  }
0x3: {  	s0 =	stileid.u32;
	s10 =	rddreg [dreg:$0x2];
	s2 =	simm.s32 $0x0  }
0x4: {  	s15 =	simm.s32 $0x1;
	s16 =	simm.s32 $0x2;
	s17 =	simm.s32 $0x12780  }
0x5: {  	s18 =	simm.s32 $0x3;
	s4 =	sand.u32 $0x1, s1;
	s1 =	rddreg [dreg:$0x3]  }
0x6: {  	s19 =	simm.s32 $0x0;
	s5 =	sshll.u32 s0, $0x1;
	[smem:$0x7FF] =	sst s2  }
0x7: {  	s3 =	sadd.s32 $0x600, s3;
	s9 =	sor.u32 s4, s5;
	s4 =	ssub.s32 $0x2, s4  }
0x8: {  	_ =	strace $0x80000047;
	s11 =	smul.u32 $0x580, s9;
	s31 =	sshrl.u32 s4, $0x1  }
0x9: {  	s13 =	sshll.u32 s9, $0x7;
	s14 =	sshll.u32 s9, $0x4;
	s12 =	ssub.s32 s4, s31  }
0xa: {  	v0 =	vlaneseq.u32;
	s8 =	sadd.s32 s8, s13;
	s10 =	sadd.s32 s10, s14;
	s13 =	simm.s32 $0x8000  }
0xb: {  	v1 =	vor.u32 $0x10, v0;
	s14 =	simm.s32 $0xC380;
	s4 =	sadd.s32 $0x580, s11;
	s5 =	sadd.s32 $0xFFFF4200, s11  }
0xc: {  	v2 =	vor.u32 $0x20, v0;
	v3 =	vor.u32 $0x30, v0;
	v4 =	vor.u32 $0x40, v0;
	s6 =	ssub.s32 $0xBE00, s11;
	s9 =	ssub.s32 $0xFFFFFA80, s11;
	s7 =	sshrl.u32 s4, $0x3  }
0xd: {  	v5 =	vor.u32 $0x50, v0;
	v6 =	vor.u32 $0x60, v0;
	v7 =	vor.u32 $0x70, v0;
	s11 =	smax.u32 s12, $0x1;
	s12 =	simm.s32 $0x400;
	s7 =	sadd.s32 s3, s7  }
.LBB2_1:
0xe: {  	[tilespmem:s4], [sflag:$0x1] =	stream.linear.gather [hbm4b:s7+s2], s6, $0x38;
	[tilespmem:$0x12800] =	vst v63  }
0xf: {  	_ = 	snop  }
0x10: {  	[tilespmem:s14], [sflag:$0x2] =	stream.strided.gather [hbm4b:s8+s12], $0x6400, s13, s12, $0x38;
	[tilespmem:$0x12800] =	vst v63  }
0x11: {  	_ = 	snop  }
0x12: {  	[tilespmem:s2], [sflag:$0x1] =	stream.linear.gather [hbm4b:s3+s2], s4, $0x38;
	[tilespmem:$0x12800] =	vst v63  }
0x13: {  	_ =	swait.ge [sflag:s15], s6  }
0x14: {  	[sflag:s15] =	ssyncset.done $0x0  }
0x15: {  	[sflag:s15] =	ssyncadd.s32 s5  }
0x16: {  	s20 =	simm.s32 $0x0;
	_ =	swait.ge [sflag:s15], s4  }
0x17: {  	v8 =	vor.u32 s20, v0;
	[sflag:s15] =	ssyncset.done $0x0  }
0x18: {  	v9 =	vor.u32 s20, v3;
	[sflag:s15] =	ssyncadd.s32 s9  }
0x19: {  	s21 =	simm.s32 $0x80;
	v10 =	vor.u32 s20, v1;
	_ =	swait.ge [sflag:s16], $0x6400  }
0x1a: {  	v11 =	vor.u32 s21, v2;
	[sflag:s16] =	ssyncset.done $0x0  }
0x1b: {  	v12 =	vor.u32 s21, v1;
	[sflag:s16] =	ssyncadd.s32 $0xFFFF9C00  }
0x1c: {  	v14 =	vor.u32 s21, v5;
	v13 =	vld.idx.msk [tilespmem:v8+s14+$0x0], $0xffff  }
0x1d: {  	v15 =	vor.u32 s21, v0;
	v9 =	vld.idx.msk [tilespmem:v9+s14+$0x0], $0xffff  }
0x1e: {  	v16 =	vor.u32 s21, v7;
	v10 =	vld.idx.msk [tilespmem:v10+s14+$0x0], $0xffff  }
0x1f: {  	v18 =	vor.u32 s20, v5;
	v11 =	vld.idx.msk [tilespmem:v11+s14+$0x0], $0xffff  }
0x20: {  	v20 =	vor.u32 s20, v2;
	v12 =	vld.idx.msk [tilespmem:v12+s14+$0x0], $0xffff  }
0x21: {  	v8 =	vor.u32 s21, v3;
	v14 =	vld.idx.msk [tilespmem:v14+s14+$0x0], $0xffff  }
0x22: {  	v23 =	vor.u32 s20, v6;
	v15 =	vld.idx.msk [tilespmem:v15+s14+$0x0], $0xffff  }
0x23: {  	v22 =	vor.u32 s21, v6;
	v16 =	vld.idx.msk [tilespmem:v16+s14+$0x0], $0xffff  }
0x24: {  	v21 =	vor.u32 s20, v4;
	v18 =	vld.idx.msk [tilespmem:v18+s14+$0x0], $0xffff  }
0x25: {  	v17 =	vor.u32 s21, v4;
	v20 =	vld.idx.msk [tilespmem:v20+s14+$0x0], $0xffff  }
0x26: {  	v25 =	vor.u32 s20, v7;
	v19 =	vld.idx.msk [tilespmem:v8+s14+$0x0], $0xffff;
	v8 =	vimm.f32 $0.0e+00;
	vm4 =	vlt.s32 v13, $0xC380  }
0x27: {  	v23 =	vld.idx.msk [tilespmem:v23+s14+$0x0], $0xffff;
	v24 =	vadd.s32 $0xFFFF3C80, v13;
	vm5 =	vlt.s32 v10, $0xC380;
	vm7 =	vlt.s32 v9, $0xC380  }
0x28: {  	v22 =	vld.idx.msk [tilespmem:v22+s14+$0x0], $0xffff;
	v26 =	vadd.s32 $0xFFFF3C80, v9;
	vm8 =	vlt.s32 v11, $0xC380;
	vm0 =	vlt.s32 v15, $0xC380  }
0x29: {  	v21 =	vld.idx.msk [tilespmem:v21+s14+$0x0], $0xffff;
	vm11 =	vlt.s32 v14, $0xC380;
	v28 =	vadd.s32 $0xFFFF3C80, v14;
	vm12 =	vlt.s32 v12, $0xC380  }
0x2a: {  	v29 =	vadd.s32 $0xFFFF3C80, v12;
	v13 =	vsel vm4, v13, v24;
	v24 =	vadd.s32 $0xFFFF3C80, v10  }
0x2b: {  	v17 =	vld.idx.msk [tilespmem:v17+s14+$0x0], $0xffff;
	vm1 =	vlt.s32 v18, $0xC380;
	vm9 =	vlt.s32 v20, $0xC380;
	v10 =	vsel vm5, v10, v24  }
0x2c: {  	vm10 =	vlt.s32 v16, $0xC380;
	vm13 =	vlt.s32 v23, $0xC380;
	v14 =	vsel vm11, v14, v28  }
0x2d: {  	v30 =	vadd.s32 $0xFFFF3C80, v23;
	v12 =	vsel vm12, v12, v29;
	v24 =	vadd.s32 $0xFFFF3C80, v11  }
0x2e: {  	v25 =	vld.idx.msk [tilespmem:v25+s14+$0x0], $0xffff;
	vm6 =	vlt.s32 v21, $0xC380;
	vm2 =	vlt.s32 v22, $0xC380;
	v11 =	vsel vm8, v11, v24  }
0x2f: {  	v28 =	vadd.s32 $0xFFFF3C80, v18;
	v29 =	vadd.s32 $0xFFFF3C80, v20;
	v9 =	vsel vm7, v9, v26;
	v13 =	vld.idx.msk [tilespmem:v13+s2+$0x0], $0xffff  }
0x30: {  	v26 =	vadd.s32 $0xFFFF3C80, v17;
	v23 =	vsel vm13, v23, v30;
	v30 =	vadd.s32 $0xFFFF3C80, v16;
	v10 =	vld.idx.msk [tilespmem:v10+s2+$0x0], $0xffff  }
0x31: {  	v20 =	vsel vm9, v20, v29;
	v16 =	vsel vm10, v16, v30;
	v29 =	vadd.s32 $0xFFFF3C80, v21;
	v14 =	vld.idx.msk [tilespmem:v14+s2+$0x0], $0xffff  }
0x32: {  	v18 =	vsel vm1, v18, v28;
	v28 =	vadd.s32 $0xFFFF3C80, v22;
	v24 =	vadd.s32 $0xFFFF3C80, v15;
	v12 =	vld.idx.msk [tilespmem:v12+s2+$0x0], $0xffff  }
0x33: {  	v21 =	vsel vm6, v21, v29;
	v27 =	vadd.s32 $0xFFFF3C80, v19;
	vm3 =	vlt.s32 v19, $0xC380;
	v11 =	vld.idx.msk [tilespmem:v11+s2+$0x0], $0xffff  }
0x34: {  	v29 =	vadd.s32 $0xFFFF3C80, v25;
	v22 =	vsel vm2, v22, v28;
	v27 =	vsel vm3, v19, v27  }
0x35: {  	v23 =	vld.idx.msk [tilespmem:v23+s2+$0x0], $0xffff;
	v19 =	vshll.u32 v13, $0x10;
	v13 =	vand.u32 $0xFFFF0000, v13;
	v30 =	vand.u32 $0xFFFF0000, v10  }
0x36: {  	v13 =	vsel vm4, v13, v19;
	v10 =	vshll.u32 v10, $0x10;
	vm4 =	vlt.s32 v25, $0xC380  }
0x37: {  	v24 =	vsel vm0, v15, v24;
	v9 =	vld.idx.msk [tilespmem:v9+s2+$0x0], $0xffff;
	v10 =	vsel vm5, v30, v10;
	v19 =	vsel vm4, v25, v29  }
0x38: {  	v20 =	vld.idx.msk [tilespmem:v20+s2+$0x0], $0xffff;
	v25 =	vshll.u32 v11, $0x10;
	v29 =	vand.u32 $0xFFFF0000, v12;
	v30 =	vand.u32 $0xFFFF0000, v14  }
0x39: {  	vm5 =	vlt.s32 v17, $0xC380;
	v14 =	vshll.u32 v14, $0x10;
	v12 =	vshll.u32 v12, $0x10  }
0x3a: {  	v15 =	vld.idx.msk [tilespmem:v16+s2+$0x0], $0xffff;
	v16 =	vadd.f32 v13, v8;
	v13 =	vand.u32 $0xFFFF0000, v23;
	v11 =	vand.u32 $0xFFFF0000, v11  }
0x3b: {  	v27 =	vld.idx.msk [tilespmem:v27+s2+$0x0], $0xffff;
	v10 =	vadd.f32 v10, v8;
	v31 =	vsel vm5, v17, v26;
	v14 =	vsel vm11, v30, v14  }
0x3c: {  	v17 =	vld.idx.msk [tilespmem:v21+s2+$0x0], $0xffff;
	v12 =	vsel vm12, v29, v12;
	v21 =	vshll.u32 v23, $0x10;
	v26 =	vand.u32 $0xFFFF0000, v9  }
0x3d: {  	v23 =	vld.idx.msk [tilespmem:v18+s2+$0x0], $0xffff;
	v9 =	vshll.u32 v9, $0x10;
	v18 =	vsel vm8, v11, v25;
	v11 =	vshll.u32 v20, $0x10  }
0x3e: {  	v13 =	vsel vm13, v13, v21;
	v30 =	vsel vm7, v26, v9;
	v10 =	vadd.f32 v12, v10  }
0x3f: {  	v26 =	vld.idx.msk [tilespmem:v24+s2+$0x0], $0xffff;
	v12 =	vand.u32 $0xFFFF0000, v20;
	v20 =	vand.u32 $0xFFFF0000, v15;
	v15 =	vshll.u32 v15, $0x10  }
0x40: {  	v9 =	vimm.f32 $0.0e+00;
	v25 =	vshll.u32 v27, $0x10;
	v15 =	vsel vm10, v20, v15;
	v20 =	vld.idx.msk [tilespmem:v22+s2+$0x0], $0xffff  }
0x41: {  	v21 =	vsel vm9, v12, v11;
	v22 =	vand.u32 $0xFFFF0000, v27;
	v11 =	vimm.f32 $0.0e+00;
	v27 =	vld.idx.msk [tilespmem:v31+s2+$0x0], $0xffff  }
0x42: {  	v12 =	vimm.f32 $0.0e+00;
	v28 =	vshll.u32 v17, $0x10;
	v29 =	vand.u32 $0xFFFF0000, v17  }
0x43: {  	s20 =	simm.s32 $0x2;
	v17 =	vadd.f32 v13, v8;
	v24 =	vshll.u32 v23, $0x10;
	v13 =	vimm.f32 $0.0e+00  }
.LBB2_2:
0x44: {  	s21 =	sshll.u32 s20, $0x7;
	p0 =	slt.u32 s20, $0xC6;
	s20 =	sadd.s32 $0x2, s20;
	v8 =	vadd.f32 v30, v8;
	v28 =	vsel vm6, v29, v28;
	v23 =	vand.u32 $0xFFFF0000, v23  }
0x45: {  	v31 =	vshll.u32 v26, $0x10;
	v29 =	vor.u32 s21, v0;
	v30 =	vor.u32 s21, v1;
	s22 =	sadd.s32 $0x80, s21;
	v19 =	vld.idx.msk [tilespmem:v19+s2+$0x0], $0xffff  }
0x46: {  	v32 =	vor.u32 s21, v3;
	v33 =	vor.u32 s21, v4;
	v34 =	vshll.u32 v27, $0x10  }
0x47: {  	v35 =	vor.u32 s21, v6;
	v36 =	vor.u32 s21, v7;
	v27 =	vand.u32 $0xFFFF0000, v27  }
0x48: {  	v26 =	vand.u32 $0xFFFF0000, v26;
	v37 =	vor.u32 s22, v1;
	v38 =	vor.u32 s22, v2  }
0x49: {  	v26 =	vsel vm0, v26, v31;
	v39 =	vor.u32 s22, v4;
	v40 =	vor.u32 s22, v7  }
0x4a: {  	v31 =	vor.u32 s22, v3;
	v41 =	vor.u32 s22, v5;
	v16 =	vadd.f32 v26, v16;
	v29 =	vld.idx.msk [tilespmem:v29+s14+$0x0], $0xffff  }
0x4b: {  	v43 =	vand.u32 $0xFFFF0000, v20;
	v42 =	vand.u32 $0xFFFF0000, v19;
	v26 =	vld.idx.msk [tilespmem:v32+s14+$0x0], $0xffff;
	v32 =	vor.u32 s22, v0  }
0x4c: {  	v22 =	vsel vm3, v22, v25;
	v44 =	vor.u32 s21, v2;
	v23 =	vsel vm1, v23, v24;
	v30 =	vld.idx.msk [tilespmem:v30+s14+$0x0], $0xffff  }
0x4d: {  	v11 =	vadd.f32 v28, v11;
	v25 =	vor.u32 s22, v6;
	v19 =	vshll.u32 v19, $0x10;
	v24 =	vld.idx.msk [tilespmem:v38+s14+$0x0], $0xffff  }
0x4e: {  	v12 =	vadd.f32 v21, v12;
	v28 =	vor.u32 s21, v5;
	v19 =	vsel vm4, v42, v19;
	v37 =	vld.idx.msk [tilespmem:v37+s14+$0x0], $0xffff  }
0x4f: {  	v20 =	vshll.u32 v20, $0x10;
	v13 =	vadd.f32 v23, v13;
	v23 =	vsel vm5, v27, v34;
	v21 =	vld.idx.msk [tilespmem:v31+s14+$0x0], $0xffff  }
0x50: {  	v11 =	vadd.f32 v23, v11;
	vm4 =	vlt.s32 v29, $0xC380;
	v27 =	vadd.s32 $0xFFFF3C80, v29;
	v31 =	vld.idx.msk [tilespmem:v41+s14+$0x0], $0xffff  }
0x51: {  	v12 =	vadd.f32 v18, v12;
	v8 =	vadd.f32 v22, v8;
	v23 =	vsel vm4, v29, v27;
	v27 =	vld.idx.msk [tilespmem:v32+s14+$0x0], $0xffff  }
0x52: {  	v20 =	vsel vm2, v43, v20;
	vm5 =	vlt.s32 v30, $0xC380;
	v18 =	vadd.s32 $0xFFFF3C80, v30;
	v22 =	vld.idx.msk [tilespmem:v40+s14+$0x0], $0xffff  }
0x53: {  	v9 =	vadd.f32 v19, v9;
	vm7 =	vlt.s32 v26, $0xC380;
	v29 =	vadd.s32 $0xFFFF3C80, v26;
	v32 =	vld.idx.msk [tilespmem:v39+s14+$0x0], $0xffff  }
0x54: {  	v17 =	vadd.f32 v20, v17;
	v13 =	vadd.f32 v14, v13;
	v28 =	vld.idx.msk [tilespmem:v28+s14+$0x0], $0xffff  }
0x55: {  	v9 =	vadd.f32 v15, v9;
	v14 =	vld.idx.msk [tilespmem:v44+s14+$0x0], $0xffff  }
0x56: {  	v15 =	vsel vm5, v30, v18;
	vm8 =	vlt.s32 v24, $0xC380;
	v18 =	vadd.s32 $0xFFFF3C80, v24;
	v20 =	vld.idx.msk [tilespmem:v25+s14+$0x0], $0xffff  }
0x57: {  	v18 =	vsel vm8, v24, v18;
	vm11 =	vlt.s32 v31, $0xC380;
	vm0 =	vlt.s32 v27, $0xC380;
	v19 =	vld.idx.msk [tilespmem:v35+s14+$0x0], $0xffff  }
0x58: {  	v30 =	vadd.s32 $0xFFFF3C80, v31;
	v24 =	vadd.s32 $0xFFFF3C80, v27;
	v25 =	vadd.s32 $0xFFFF3C80, v21;
	v23 =	vld.idx.msk [tilespmem:v23+s2+$0x0], $0xffff  }
0x59: {  	vm12 =	vlt.s32 v37, $0xC380;
	v30 =	vsel vm11, v31, v30;
	v35 =	vadd.s32 $0xFFFF3C80, v37;
	v34 =	vld.idx.msk [tilespmem:v36+s14+$0x0], $0xffff  }
0x5a: {  	v35 =	vsel vm12, v37, v35;
	vm1 =	vlt.s32 v28, $0xC380;
	v31 =	vld.idx.msk [tilespmem:v33+s14+$0x0], $0xffff;
	v33 =	vadd.s32 $0xFFFF3C80, v28  }
0x5b: {  	vm10 =	vlt.s32 v22, $0xC380;
	vm9 =	vlt.s32 v14, $0xC380;
	v36 =	vadd.s32 $0xFFFF3C80, v14;
	v15 =	vld.idx.msk [tilespmem:v15+s2+$0x0], $0xffff  }
0x5c: {  	v26 =	vsel vm7, v26, v29;
	vm3 =	vlt.s32 v21, $0xC380;
	v29 =	vadd.s32 $0xFFFF3C80, v32;
	v18 =	vld.idx.msk [tilespmem:v18+s2+$0x0], $0xffff  }
0x5d: {  	v21 =	vsel vm3, v21, v25;
	vm13 =	vlt.s32 v19, $0xC380;
	v37 =	vadd.s32 $0xFFFF3C80, v19  }
0x5e: {  	v25 =	vshll.u32 v23, $0x10;
	v19 =	vsel vm13, v19, v37;
	v37 =	vadd.s32 $0xFFFF3C80, v22;
	v30 =	vld.idx.msk [tilespmem:v30+s2+$0x0], $0xffff  }
0x5f: {  	v14 =	vsel vm9, v14, v36;
	v23 =	vand.u32 $0xFFFF0000, v23;
	v22 =	vsel vm10, v22, v37;
	v35 =	vld.idx.msk [tilespmem:v35+s2+$0x0], $0xffff  }
0x60: {  	vm2 =	vlt.s32 v20, $0xC380;
	vm6 =	vlt.s32 v31, $0xC380;
	v36 =	vadd.s32 $0xFFFF3C80, v31  }
0x61: {  	v37 =	vand.u32 $0xFFFF0000, v15;
	v31 =	vsel vm6, v31, v36;
	v36 =	vadd.s32 $0xFFFF3C80, v34  }
0x62: {  	v23 =	vsel vm4, v23, v25;
	vm4 =	vlt.s32 v34, $0xC380;
	v15 =	vshll.u32 v15, $0x10;
	v25 =	vld.idx.msk [tilespmem:v26+s2+$0x0], $0xffff  }
0x63: {  	v15 =	vsel vm5, v37, v15;
	v26 =	vld.idx.msk [tilespmem:v19+s2+$0x0], $0xffff;
	v19 =	vsel vm4, v34, v36;
	v34 =	vshll.u32 v18, $0x10  }
0x64: {  	v10 =	vadd.f32 v15, v10;
	v15 =	vsel vm1, v28, v33;
	v28 =	vadd.s32 $0xFFFF3C80, v20  }
0x65: {  	v20 =	vsel vm2, v20, v28;
	v36 =	vand.u32 $0xFFFF0000, v35;
	v33 =	vld.idx.msk [tilespmem:v14+s2+$0x0], $0xffff;
	v14 =	vand.u32 $0xFFFF0000, v30  }
0x66: {  	v24 =	vsel vm0, v27, v24;
	vm5 =	vlt.s32 v32, $0xC380;
	v27 =	vshll.u32 v30, $0x10;
	v22 =	vld.idx.msk [tilespmem:v22+s2+$0x0], $0xffff  }
0x67: {  	v29 =	vsel vm5, v32, v29;
	v28 =	vshll.u32 v35, $0x10;
	v14 =	vsel vm11, v14, v27;
	v30 =	vld.idx.msk [tilespmem:v31+s2+$0x0], $0xffff  }
0x68: {  	v16 =	vadd.f32 v23, v16;
	v27 =	vsel vm12, v36, v28;
	v31 =	vld.idx.msk [tilespmem:v21+s2+$0x0], $0xffff  }
0x69: {  	v18 =	vand.u32 $0xFFFF0000, v18;
	v21 =	vshll.u32 v26, $0x10;
	v23 =	vld.idx.msk [tilespmem:v15+s2+$0x0], $0xffff;
	v15 =	vand.u32 $0xFFFF0000, v26  }
0x6a: {  	v32 =	vand.u32 $0xFFFF0000, v25;
	v25 =	vshll.u32 v25, $0x10;
	v10 =	vadd.f32 v27, v10;
	v20 =	vld.idx.msk [tilespmem:v20+s2+$0x0], $0xffff  }
.Ltmp0:
0x6b: {  	v18 =	vsel vm8, v18, v34;
	v28 =	vand.u32 $0xFFFF0000, v33;
	v35 =	vsel vm13, v15, v21;
	v26 =	vld.idx.msk [tilespmem:v24+s2+$0x0], $0xffff;
	(pc) =	sbr.rel @p0 .LBB2_2-.Ltmp0, $4  }
0x6c: {  	v15 =	vshll.u32 v33, $0x10;
	v24 =	vand.u32 $0xFFFF0000, v22;
	v22 =	vshll.u32 v22, $0x10;
	v27 =	vld.idx.msk [tilespmem:v29+s2+$0x0], $0xffff  }
0x6d: {  	v21 =	vsel vm9, v28, v15;
	v28 =	vshll.u32 v30, $0x10;
	v15 =	vsel vm10, v24, v22  }
0x6e: {  	v17 =	vadd.f32 v35, v17;
	v29 =	vand.u32 $0xFFFF0000, v30;
	v22 =	vand.u32 $0xFFFF0000, v31  }
0x6f: {  	v30 =	vsel vm7, v32, v25;
	v25 =	vshll.u32 v31, $0x10;
	v24 =	vshll.u32 v23, $0x10  }
0x70: {  	_ =	sdelay $0x2  }
0x71: {  	v8 =	vadd.f32 v30, v8;
	v28 =	vsel vm6, v29, v28  }
0x72: {  	v19 =	vld.idx.msk [tilespmem:v19+s2+$0x0], $0xffff;
	v23 =	vand.u32 $0xFFFF0000, v23;
	v53 =	vshll.u32 v26, $0x10;
	v54 =	vand.u32 $0xFFFF0000, v26  }
0x73: {  	v12 =	vadd.f32 v21, v12;
	v58 =	vand.u32 $0xFFFF0000, v20;
	v22 =	vsel vm3, v22, v25  }
0x74: {  	v55 =	vshll.u32 v27, $0x10;
	v56 =	vand.u32 $0xFFFF0000, v27;
	v26 =	vsel vm0, v54, v53  }
0x75: {  	v23 =	vsel vm1, v23, v24;
	v11 =	vadd.f32 v28, v11;
	v16 =	vadd.f32 v26, v16  }
0x76: {  	[tilespmem:$0x12790] =	vst v10;
	v12 =	vadd.f32 v18, v12;
	v13 =	vadd.f32 v23, v13;
	v59 =	vsel vm5, v56, v55  }
0x77: {  	v8 =	vadd.f32 v22, v8;
	[tilespmem:$0x12780] =	vst v16;
	v57 =	vand.u32 $0xFFFF0000, v19;
	v19 =	vshll.u32 v19, $0x10  }
0x78: {  	v61 =	vshll.u32 v20, $0x10;
	v11 =	vadd.f32 v59, v11;
	[tilespmem:$0x127A0] =	vst v12;
	v60 =	vsel vm4, v57, v19  }
0x79: {  	v62 =	vsel vm2, v58, v61;
	v63 =	vadd.f32 v14, v13;
	[tilespmem:$0x127B0] =	vst v8;
	v9 =	vadd.f32 v60, v9  }
0x7a: {  	v8 =	vadd.f32 v62, v17;
	[tilespmem:$0x127C0] =	vst v11  }
0x7b: {  	s19 =	sadd.s32 $0x1, s19;
	[tilespmem:$0x127D0] =	vst v63;
	v9 =	vadd.f32 v15, v9  }
0x7c: {  	p0 =	sne.s32 s19, s11;
	[tilespmem:$0x127E0] =	vst v8  }
.Ltmp1:
0x7d: {  	[tilespmem:$0x127F0] =	vst v9;
	(pc) =	sbr.rel @p0 .LBB2_1-.Ltmp1, $4  }
0x7e: {  	[hbm4b:s10+s2] =	stream.linear.scatter [tilespmem:s17], [sflag:$0x3], $0x80, $0x38;
	[tilespmem:$0x12800] =	vst v63  }
0x7f: {  	_ =	swait.ge [sflag:s18], $0x80  }
0x80: {  	[sflag:s18] =	ssyncset.done $0x0  }
0x81: {  	[sflag:s18] =	ssyncadd.s32 $0xFFFFFF80  }
0x82: {  	_ =	sfence.sel $0x180000  }
0x83: {  	[bflag:$0x0] =	sbarrier.arrive $0xFFFF  }
0x84: {  	p0 =	sne.s32 s0, $0x0;
	_ =	strace $0x90000047  }
0x85: {  	s0 =	sadd.s32 @!p0 $0x100000, s1;
	[bflag:$0x2] =	sbarrier.arrive $0xFFFF  }
0x86: {  	[sflag:s0] =	ssyncadd.tile.s32 @!p0 $0x1;
	_ =	shalt  }
.Lfunc_end2:
_tile_overlayer_lowered:
.L_overlay_start_2:
0x87: {  	(tag) =	ssettag $0x2  }
0x88: {  	s0 =	rddreg [dreg:$0x0];
	s2 =	stileid.u32  }
0x89: {  	s1 =	rddreg [dreg:$0x1];
	p0 =	sne.s32 s2, $0x0  }
0x8a: {  	s3 =	rddreg [dreg:$0x2];
	[bflag:$0x3] =	sbarrier.arrive $0xFFFF;
	s2 =	simm.s32 @!p0 $0x1C03  }
0x8b: {  	[timem:s3], [sflag:s2] =	dma.local @!p0 [hbm:s0], s1  }
0x8c: {  	s0 =	simm.s32 @!p0 $0x3  }
0x8d: {  	_ =	swait.ge @!p0 [sflag:s0], s1  }
0x8e: {  	s1 =	ssub.s32 @!p0 $0x0, s1;
	[sflag:s0] =	ssyncset.done @!p0 $0x0  }
0x8f: {  	[sflag:s0] =	ssyncadd.s32 @!p0 s1  }
0x90: {  	[bflag:$0x3] =	sbarrier.arrive $0xFFFF  }
0x91: {  	_ =	shalt  }

</sc_bundles>
